<compile_context>
chip_gen: v7x
topology: tpu7x:2x2x1
jax: 0.10.2.dev20260603
libtpu: 0.0.44.dev20260713+nightly
codegen_flags: <defaults>
</compile_context>

<pallas_src>
import functools

import jax
import jax.numpy as jnp
from jax import lax
from jax.experimental import pallas as pl
from jax.experimental.pallas import tpu as pltpu
from jax.experimental.pallas import tpu_sc as plsc

N = 10000
D = 128
E = 320000

NC = 2
NS = 16
NW = NC * NS
CHUNK = 36
EPT = -(-E // NW)
NCHUNKS = -(-EPT // CHUNK)
NCHUNKS += NCHUNKS % 2
EPAD = NW * NCHUNKS * CHUNK
ZR = 632
NACC = NS * ZR
RPT = (N // NS) // 8 * 8
RTAIL = N - NS * RPT


def _seg_sum_body(h_hbm, src_hbm, dst_hbm, zeros_hbm, out_hbm,
                  src_v, dstb0, dstb1, buf0, buf1, accum,
                  sg0, sg1, sd0, sd1):
    c = lax.axis_index("c")
    s = lax.axis_index("s")
    wid = s * NC + c

    pltpu.sync_copy(src_hbm.at[wid], src_v)
    pltpu.sync_copy(zeros_hbm, accum.at[pl.ds(s * ZR, ZR)])
    plsc.subcore_barrier()

    pltpu.async_copy(h_hbm.at[src_v.at[0]], buf0, sg0)
    pltpu.async_copy(dst_hbm.at[wid, 0], dstb0, sd0)

    def outer(j, carry):
        i0 = 2 * j
        pltpu.async_copy(h_hbm.at[src_v.at[i0 + 1]], buf1, sg1)
        pltpu.async_copy(dst_hbm.at[wid, i0 + 1], dstb1, sd1)
        pltpu.make_async_copy(h_hbm.at[src_v.at[i0]], buf0, sg0).wait()
        pltpu.make_async_copy(dst_hbm.at[wid, i0], dstb0, sd0).wait()
        pltpu.sync_copy(buf0, accum.at[dstb0], add=True)
        @pl.when(i0 + 2 < NCHUNKS)
        def _():
            pltpu.async_copy(h_hbm.at[src_v.at[i0 + 2]], buf0, sg0)
            pltpu.async_copy(dst_hbm.at[wid, i0 + 2], dstb0, sd0)
        pltpu.make_async_copy(h_hbm.at[src_v.at[i0 + 1]], buf1, sg1).wait()
        pltpu.make_async_copy(dst_hbm.at[wid, i0 + 1], dstb1, sd1).wait()
        pltpu.sync_copy(buf1, accum.at[dstb1], add=True)
        return carry

    lax.fori_loop(0, NCHUNKS // 2, outer, 0)
    plsc.subcore_barrier()
    pltpu.sync_copy(accum.at[pl.ds(s * RPT, RPT)],
                    out_hbm.at[pl.ds(c * N + s * RPT, RPT)])

    @pl.when(s == 0)
    def _():
        pltpu.sync_copy(accum.at[pl.ds(NS * RPT, RTAIL)],
                        out_hbm.at[pl.ds(c * N + NS * RPT, RTAIL)])


@functools.cache
def _seg_sum():
    return functools.partial(
        pl.kernel,
        out_type=jax.ShapeDtypeStruct((2 * N, D), jnp.float32),
        mesh=plsc.VectorSubcoreMesh(core_axis_name="c", subcore_axis_name="s"),
        scratch_types=[
            pltpu.VMEM((NCHUNKS, CHUNK), jnp.int32),
            pltpu.VMEM((CHUNK,), jnp.int32),
            pltpu.VMEM((CHUNK,), jnp.int32),
            pltpu.VMEM((CHUNK, D), jnp.float32),
            pltpu.VMEM((CHUNK, D), jnp.float32),
            pltpu.VMEM_SHARED((NACC, D), jnp.float32),
            pltpu.SemaphoreType.DMA,
            pltpu.SemaphoreType.DMA,
            pltpu.SemaphoreType.DMA,
            pltpu.SemaphoreType.DMA,
        ],
    )(_seg_sum_body)


def _dense_body(relu_out, h_ref, a0_ref, a1_ref, w1_ref, b1_ref, g1_ref,
                be1_ref, w2_ref, b2_ref, gb_ref, bb_ref, out_ref,
                z1_buf, z2_buf, st_ref):
    p = pl.program_id(0)
    b = pl.program_id(1)
    rows = pl.ds(b * _R, _R)
    eps = 1e-5
    inv_n = 1.0 / N

    @pl.when(jnp.logical_and(p == 0, b == 0))
    def _():
        st_ref[...] = jnp.zeros_like(st_ref)

    @pl.when(p == 0)
    def _():
        z = h_ref[...] + a0_ref[...] + a1_ref[...]
        z1 = lax.dot_general(z, w1_ref[...], (((1,), (1,)), ((), ())),
                             preferred_element_type=jnp.float32) + b1_ref[...]
        z1_buf[rows, :] = z1
        st_ref[0:1, :] += jnp.sum(z1, axis=0, keepdims=True)
        st_ref[1:2, :] += jnp.sum(z1 * z1, axis=0, keepdims=True)

    @pl.when(p == 1)
    def _():
        z1 = z1_buf[rows, :]
        mu = st_ref[0:1, :] * inv_n
        var = st_ref[1:2, :] * inv_n - mu * mu
        y = g1_ref[...] * (z1 - mu) * lax.rsqrt(var + eps) + be1_ref[...]
        y = jnp.maximum(y, 0.0)
        z2 = lax.dot_general(y, w2_ref[...], (((1,), (1,)), ((), ())),
                             preferred_element_type=jnp.float32) + b2_ref[...]
        z2_buf[rows, :] = z2
        st_ref[2:3, :] += jnp.sum(z2, axis=0, keepdims=True)
        st_ref[3:4, :] += jnp.sum(z2 * z2, axis=0, keepdims=True)

    @pl.when(p == 2)
    def _():
        z2 = z2_buf[rows, :]
        mu = st_ref[2:3, :] * inv_n
        var = st_ref[3:4, :] * inv_n - mu * mu
        h2 = gb_ref[...] * (z2 - mu) * lax.rsqrt(var + eps) + bb_ref[...]
        if relu_out:
            h2 = jnp.maximum(h2, 0.0)
        out_ref[...] = h2


_R = 2000
_NB = N // _R


def _make_dense(relu_out):
    row_spec = pl.BlockSpec((_R, D), lambda p, b: (b, 0))
    full_spec = pl.BlockSpec((D, D), lambda p, b: (0, 0))
    vec_spec = pl.BlockSpec((1, D), lambda p, b: (0, 0))
    return pl.pallas_call(
        functools.partial(_dense_body, relu_out),
        grid=(3, _NB),
        in_specs=[
            row_spec,
            row_spec,
            pl.BlockSpec((_R, D), lambda p, b: (_NB + b, 0)),
            full_spec, vec_spec, vec_spec, vec_spec,
            full_spec, vec_spec, vec_spec, vec_spec,
        ],
        out_specs=row_spec,
        out_shape=jax.ShapeDtypeStruct((N, D), jnp.float32),
        scratch_shapes=[
            pltpu.VMEM((N, D), jnp.float32),
            pltpu.VMEM((N, D), jnp.float32),
            pltpu.VMEM((8, D), jnp.float32),
        ],
    )


_dense_mid = _make_dense(True)
_dense_last = _make_dense(False)


@jax.jit
def _forward(x, edge_index, W1, b1, g1, beta1, W2, b2, gbn, bbn):
    src = edge_index[0].astype(jnp.int32)
    dst = edge_index[1].astype(jnp.int32)
    src_p = jnp.concatenate(
        [src, jnp.zeros((EPAD - E,), jnp.int32)]).reshape(NW, NCHUNKS, CHUNK)
    dst_p = jnp.concatenate(
        [dst, jnp.full((EPAD - E,), N, jnp.int32)]).reshape(NW, NCHUNKS, CHUNK)
    zeros = jnp.zeros((ZR, D), jnp.float32)

    num_layers = W1.shape[0]
    h = x
    for l in range(num_layers):
        agg2 = _seg_sum()(h, src_p, dst_p, zeros)
        dense = _dense_mid if l < num_layers - 1 else _dense_last
        h = dense(h, agg2, agg2,
                  W1[l], b1[l].reshape(1, D), g1[l].reshape(1, D),
                  beta1[l].reshape(1, D),
                  W2[l], b2[l].reshape(1, D), gbn[l].reshape(1, D),
                  bbn[l].reshape(1, D))
    return h


def kernel(x, edge_index, batch, W1, b1, g1, beta1, W2, b2, gbn, bbn):
    h = _forward(x, edge_index, W1, b1, g1, beta1, W2, b2, gbn, bbn)
    return (h, batch)

# --- scband reference (transcript-rebuilt; emitter-appended) ---
"""Pipeline reference for scband-gnn-node-81114752352714 (READ-ONLY COPY).

The authoritative reference and input builder live on the scoring server;
editing this copy changes nothing except your own understanding.
"""

import jax, jax.numpy as jnp
import numpy as np

N = 10000
E = 320000
D = 128
L = 3


def setup_inputs(seed: int = 0) -> dict:
    key = jax.random.key(seed)
    ks = jax.random.split(key, 8)
    inp = {}
    inp["x"] = jax.random.normal(ks[0], (N, D), dtype=jnp.float32)
    inp["edge_index"] = jax.random.randint(ks[1], (2, E), 0, N)
    inp["batch"] = jnp.sort(jax.random.randint(ks[2], (N,), 0, 64))
    # GIN MLP params per layer: Linear(D, D) -> BN(D) -> ReLU -> Linear(D, D),
    # then outer BatchNorm1d(D). Stacked over L layers.
    inp["W1"] = jax.random.normal(ks[3], (L, D, D), dtype=jnp.float32) * 0.05
    inp["b1"] = jnp.zeros((L, D), dtype=jnp.float32)
    inp["g1"] = jnp.ones((L, D), dtype=jnp.float32)
    inp["beta1"] = jnp.zeros((L, D), dtype=jnp.float32)
    inp["W2"] = jax.random.normal(ks[4], (L, D, D), dtype=jnp.float32) * 0.05
    inp["b2"] = jnp.zeros((L, D), dtype=jnp.float32)
    inp["gbn"] = jnp.ones((L, D), dtype=jnp.float32)
    inp["bbn"] = jnp.zeros((L, D), dtype=jnp.float32)
    return inp


def _bn(h, gamma, beta, eps=1e-5):
    # BatchNorm1d forward (training-mode batch stats, biased variance like torch)
    mu = jnp.mean(h, axis=0)
    var = jnp.var(h, axis=0)
    return gamma * (h - mu) * jax.lax.rsqrt(var + eps) + beta


def reference(x, edge_index, batch, W1, b1, g1, beta1, W2, b2, gbn, bbn):
    # GNN_node forward: node_encoder=None (x.float()), num_layer L GIN convs,
    # plain edge_index every layer (cfg.transform.name not in EGP/CGP/FA),
    # dropout in eval mode (identity), GINConv eps=0.
    src = edge_index[0]
    dst = edge_index[1]
    n = x.shape[0]
    num_layers = W1.shape[0]
    h = x
    for l in range(num_layers):
        # GIN aggregation: sum of neighbor features, scatter-add over dst
        agg = jax.ops.segment_sum(h[src], dst, num_segments=n)
        z = h + agg  # (1 + eps) * x + aggr, eps = 0
        # GIN MLP: Linear -> BN -> ReLU -> Linear
        z = z @ W1[l].T + b1[l]
        z = _bn(z, g1[l], beta1[l])
        z = jnp.maximum(z, 0.0)
        z = z @ W2[l].T + b2[l]
        # outer BatchNorm1d
        h = _bn(z, gbn[l], bbn[l])
        # ReLU on all but last layer; dropout is identity in eval
        if l < num_layers - 1:
            h = jnp.maximum(h, 0.0)
    return (h, batch)

if __name__ == "__main__":
    import jax
    _d = setup_inputs()
    print(jax.jit(kernel)(*tuple(_d.values())))

</pallas_src>

<mosaic_0001>
#map = affine_map<(d0, d1) -> (0, 0)>
#map1 = affine_map<(d0, d1) -> (0, 0, 0)>
module attributes {stable_mosaic.version = 14 : i64} {
  func.func @_seg_sum_body(%arg0: i32, %arg1: i32, %arg2: memref<10000x128xf32, #tpu.memory_space<hbm>>, %arg3: memref<32x278x36xi32, #tpu.memory_space<hbm>>, %arg4: memref<32x278x36xi32, #tpu.memory_space<hbm>>, %arg5: memref<632x128xf32, #tpu.memory_space<hbm>>, %arg6: memref<20000x128xf32, #tpu.memory_space<hbm>>, %arg7: memref<278x36xi32, #tpu.memory_space<vmem>>, %arg8: memref<36xi32, #tpu.memory_space<vmem>>, %arg9: memref<36xi32, #tpu.memory_space<vmem>>, %arg10: memref<36x128xf32, #tpu.memory_space<vmem>>, %arg11: memref<36x128xf32, #tpu.memory_space<vmem>>, %arg12: memref<10112x128xf32, #tpu.memory_space<vmem_shared>>, %arg13: memref<!tpu.dma_semaphore, #tpu.memory_space<semaphore_mem>>, %arg14: memref<!tpu.dma_semaphore, #tpu.memory_space<semaphore_mem>>, %arg15: memref<!tpu.dma_semaphore, #tpu.memory_space<semaphore_mem>>, %arg16: memref<!tpu.dma_semaphore, #tpu.memory_space<semaphore_mem>>) attributes {dimension_semantics = [#tpu.dimension_semantics<core_parallel>, #tpu.dimension_semantics<subcore_parallel>], iteration_bounds = array<i64: 2, 16>, scalar_prefetch = 0 : i64, scratch_operands = 10 : i64, tpu.core_type = #tpu.core_type<sc_vector_subcore>, window_params = [{transform_indices = #map}, {transform_indices = #map1}, {transform_indices = #map1}, {transform_indices = #map}, {transform_indices = #map}]} {
    %mul3A = arith.constant 2 : i32
    %mul3A_0 = arith.muli %arg1, %mul3A : i32
    %add3A = arith.addi %mul3A_0, %arg0 : i32
    "tpu.region"() ({
      %run_scoped3A = tpu.sem_alloc : memref<!tpu.dma_semaphore, #tpu.memory_space<semaphore_mem>>
      %dma_start3A_31 = arith.constant 0 : i32
      %dma_start3A_32 = arith.constant 0 : i32
      %dma_start3A_33 = tpu.memref_slice %arg3[%add3A, %dma_start3A_31, %dma_start3A_32] : memref<32x278x36xi32, #tpu.memory_space<hbm>> -> memref<1x278x36xi32, #tpu.memory_space<hbm>>
      %dma_start3A_34 = tpu.memref_squeeze %dma_start3A_33 : memref<1x278x36xi32, #tpu.memory_space<hbm>> -> memref<278x36xi32, #tpu.memory_space<hbm>>
      %dma_start3A_35 = arith.constant 0 : i32
      %dma_start3A_36 = arith.constant 0 : i32
      %dma_start3A_37 = tpu.memref_slice %arg3[%add3A, %dma_start3A_35, %dma_start3A_36] : memref<32x278x36xi32, #tpu.memory_space<hbm>> -> memref<1x278x36xi32, #tpu.memory_space<hbm>>
      %dma_start3A_38 = tpu.memref_squeeze %dma_start3A_37 : memref<1x278x36xi32, #tpu.memory_space<hbm>> -> memref<278x36xi32, #tpu.memory_space<hbm>>
      tpu.enqueue_dma source(%dma_start3A_38 : memref<278x36xi32, #tpu.memory_space<hbm>>) target(%arg7 : memref<278x36xi32, #tpu.memory_space<vmem>>) target_semaphore(%run_scoped3A : memref<!tpu.dma_semaphore, #tpu.memory_space<semaphore_mem>>)
      %dma_wait3A = arith.constant 0 : i32
      %dma_wait3A_39 = arith.constant 0 : i32
      %dma_wait3A_40 = tpu.memref_slice %arg3[%add3A, %dma_wait3A, %dma_wait3A_39] : memref<32x278x36xi32, #tpu.memory_space<hbm>> -> memref<1x278x36xi32, #tpu.memory_space<hbm>>
      %dma_wait3A_41 = tpu.memref_squeeze %dma_wait3A_40 : memref<1x278x36xi32, #tpu.memory_space<hbm>> -> memref<278x36xi32, #tpu.memory_space<hbm>>
      %dma_wait3A_42 = arith.constant 0 : i32
      %dma_wait3A_43 = arith.constant 0 : i32
      %dma_wait3A_44 = tpu.memref_slice %arg3[%add3A, %dma_wait3A_42, %dma_wait3A_43] : memref<32x278x36xi32, #tpu.memory_space<hbm>> -> memref<1x278x36xi32, #tpu.memory_space<hbm>>
      %dma_wait3A_45 = tpu.memref_squeeze %dma_wait3A_44 : memref<1x278x36xi32, #tpu.memory_space<hbm>> -> memref<278x36xi32, #tpu.memory_space<hbm>>
      tpu.wait_dma2 semaphore(%run_scoped3A : memref<!tpu.dma_semaphore, #tpu.memory_space<semaphore_mem>>) src(%dma_wait3A_45 : memref<278x36xi32, #tpu.memory_space<hbm>>) dst(%arg7 : memref<278x36xi32, #tpu.memory_space<vmem>>)
      tpu.yield
    }) : () -> ()
    %mul3A_1 = arith.constant 632 : i32
    %mul3A_2 = arith.muli %arg1, %mul3A_1 : i32
    "tpu.region"() ({
      %run_scoped3A = tpu.sem_alloc : memref<!tpu.dma_semaphore, #tpu.memory_space<semaphore_mem>>
      %dma_start3A_31 = arith.constant 0 : i32
      %dma_start3A_32 = tpu.memref_slice %arg12[%mul3A_2, %dma_start3A_31] : memref<10112x128xf32, #tpu.memory_space<vmem_shared>> -> memref<632x128xf32, #tpu.memory_space<vmem_shared>>
      tpu.enqueue_dma source(%arg5 : memref<632x128xf32, #tpu.memory_space<hbm>>) target(%dma_start3A_32 : memref<632x128xf32, #tpu.memory_space<vmem_shared>>) target_semaphore(%run_scoped3A : memref<!tpu.dma_semaphore, #tpu.memory_space<semaphore_mem>>)
      %dma_wait3A = arith.constant 0 : i32
      %dma_wait3A_33 = tpu.memref_slice %arg12[%mul3A_2, %dma_wait3A] : memref<10112x128xf32, #tpu.memory_space<vmem_shared>> -> memref<632x128xf32, #tpu.memory_space<vmem_shared>>
      tpu.wait_dma2 semaphore(%run_scoped3A : memref<!tpu.dma_semaphore, #tpu.memory_space<semaphore_mem>>) src(%arg5 : memref<632x128xf32, #tpu.memory_space<hbm>>) dst(%dma_wait3A_33 : memref<632x128xf32, #tpu.memory_space<vmem_shared>>)
      tpu.yield
    }) : () -> ()
    %barrier3A = arith.constant 0 : index
    tpu.barrier barrier_id(%barrier3A)
    %dma_start3A = arith.constant 0 : i32
    %dma_start3A_3 = arith.constant 0 : i32
    %dma_start3A_4 = tpu.memref_slice %arg7[%dma_start3A, %dma_start3A_3] : memref<278x36xi32, #tpu.memory_space<vmem>> -> memref<1x36xi32, #tpu.memory_space<vmem>>
    %dma_start3A_5 = tpu.memref_squeeze %dma_start3A_4 : memref<1x36xi32, #tpu.memory_space<vmem>> -> memref<36xi32, #tpu.memory_space<vmem>>
    %dma_start3A_6 = arith.constant 0 : i32
    %dma_start3A_7 = arith.constant 0 : i32
    %dma_start3A_8 = tpu.memref_slice %arg2[%dma_start3A_6, %dma_start3A_7] : memref<10000x128xf32, #tpu.memory_space<hbm>> -> memref<10000x128xf32, #tpu.memory_space<hbm>>
    tpu.enqueue_indirect_dma source(%dma_start3A_8 : memref<10000x128xf32, #tpu.memory_space<hbm>>) target(%arg10 : memref<36x128xf32, #tpu.memory_space<vmem>>) offsets(%dma_start3A_5 : memref<36xi32, #tpu.memory_space<vmem>>) semaphore(%arg13 : memref<!tpu.dma_semaphore, #tpu.memory_space<semaphore_mem>>)
    %dma_start3A_9 = arith.constant 0 : i32
    %dma_start3A_10 = arith.constant 0 : i32
    %dma_start3A_11 = tpu.memref_slice %arg4[%add3A, %dma_start3A_9, %dma_start3A_10] : memref<32x278x36xi32, #tpu.memory_space<hbm>> -> memref<1x1x36xi32, #tpu.memory_space<hbm>>
    %dma_start3A_12 = tpu.memref_squeeze %dma_start3A_11 : memref<1x1x36xi32, #tpu.memory_space<hbm>> -> memref<36xi32, #tpu.memory_space<hbm>>
    %dma_start3A_13 = arith.constant 0 : i32
    %dma_start3A_14 = tpu.memref_slice %arg4[%add3A, %dma_start3A_9, %dma_start3A_13] : memref<32x278x36xi32, #tpu.memory_space<hbm>> -> memref<1x1x36xi32, #tpu.memory_space<hbm>>
    %dma_start3A_15 = tpu.memref_squeeze %dma_start3A_14 : memref<1x1x36xi32, #tpu.memory_space<hbm>> -> memref<36xi32, #tpu.memory_space<hbm>>
    tpu.enqueue_dma source(%dma_start3A_15 : memref<36xi32, #tpu.memory_space<hbm>>) target(%arg8 : memref<36xi32, #tpu.memory_space<vmem>>) target_semaphore(%arg15 : memref<!tpu.dma_semaphore, #tpu.memory_space<semaphore_mem>>)
    %scan3A = arith.constant 0 : i32
    %scan3A_16 = arith.constant 0 : i32
    %scan3A_17 = arith.constant 139 : i32
    %scan3A_18 = arith.addi %scan3A_16, %scan3A_17 : i32
    %scan3A_19 = arith.constant 1 : i32
    scf.for %scan3A_31 = %scan3A_16 to %scan3A_18 step %scan3A_19  : i32 {
      %mul3A_32 = arith.constant 2 : i32
      %mul3A_33 = arith.muli %mul3A_32, %scan3A_31 : i32
      %add3A_34 = arith.constant 1 : i32
      %add3A_35 = arith.addi %mul3A_33, %add3A_34 : i32
      %dma_start3A_36 = arith.constant 0 : i32
      %dma_start3A_37 = tpu.memref_slice %arg7[%add3A_35, %dma_start3A_36] : memref<278x36xi32, #tpu.memory_space<vmem>> -> memref<1x36xi32, #tpu.memory_space<vmem>>
      %dma_start3A_38 = tpu.memref_squeeze %dma_start3A_37 : memref<1x36xi32, #tpu.memory_space<vmem>> -> memref<36xi32, #tpu.memory_space<vmem>>
      %dma_start3A_39 = arith.constant 0 : i32
      %dma_start3A_40 = arith.constant 0 : i32
      %dma_start3A_41 = tpu.memref_slice %arg2[%dma_start3A_39, %dma_start3A_40] : memref<10000x128xf32, #tpu.memory_space<hbm>> -> memref<10000x128xf32, #tpu.memory_space<hbm>>
      tpu.enqueue_indirect_dma source(%dma_start3A_41 : memref<10000x128xf32, #tpu.memory_space<hbm>>) target(%arg11 : memref<36x128xf32, #tpu.memory_space<vmem>>) offsets(%dma_start3A_38 : memref<36xi32, #tpu.memory_space<vmem>>) semaphore(%arg14 : memref<!tpu.dma_semaphore, #tpu.memory_space<semaphore_mem>>)
      %add3A_42 = arith.constant 1 : i32
      %add3A_43 = arith.addi %mul3A_33, %add3A_42 : i32
      %dma_start3A_44 = arith.constant 0 : i32
      %dma_start3A_45 = tpu.memref_slice %arg4[%add3A, %add3A_43, %dma_start3A_44] : memref<32x278x36xi32, #tpu.memory_space<hbm>> -> memref<1x1x36xi32, #tpu.memory_space<hbm>>
      %dma_start3A_46 = tpu.memref_squeeze %dma_start3A_45 : memref<1x1x36xi32, #tpu.memory_space<hbm>> -> memref<36xi32, #tpu.memory_space<hbm>>
      %dma_start3A_47 = arith.constant 0 : i32
      %dma_start3A_48 = tpu.memref_slice %arg4[%add3A, %add3A_43, %dma_start3A_47] : memref<32x278x36xi32, #tpu.memory_space<hbm>> -> memref<1x1x36xi32, #tpu.memory_space<hbm>>
      %dma_start3A_49 = tpu.memref_squeeze %dma_start3A_48 : memref<1x1x36xi32, #tpu.memory_space<hbm>> -> memref<36xi32, #tpu.memory_space<hbm>>
      tpu.enqueue_dma source(%dma_start3A_49 : memref<36xi32, #tpu.memory_space<hbm>>) target(%arg9 : memref<36xi32, #tpu.memory_space<vmem>>) target_semaphore(%arg16 : memref<!tpu.dma_semaphore, #tpu.memory_space<semaphore_mem>>)
      %dma_wait3A = arith.constant 0 : i32
      %dma_wait3A_50 = tpu.memref_slice %arg7[%mul3A_33, %dma_wait3A] : memref<278x36xi32, #tpu.memory_space<vmem>> -> memref<1x36xi32, #tpu.memory_space<vmem>>
      %dma_wait3A_51 = tpu.memref_squeeze %dma_wait3A_50 : memref<1x36xi32, #tpu.memory_space<vmem>> -> memref<36xi32, #tpu.memory_space<vmem>>
      %dma_wait3A_52 = arith.constant 0 : i32
      %dma_wait3A_53 = arith.constant 0 : i32
      %dma_wait3A_54 = tpu.memref_slice %arg2[%dma_wait3A_52, %dma_wait3A_53] : memref<10000x128xf32, #tpu.memory_space<hbm>> -> memref<10000x128xf32, #tpu.memory_space<hbm>>
      tpu.wait_indirect_dma semaphore(%arg13 : memref<!tpu.dma_semaphore, #tpu.memory_space<semaphore_mem>>) src(%dma_wait3A_54 : memref<10000x128xf32, #tpu.memory_space<hbm>>) dst(%arg10 : memref<36x128xf32, #tpu.memory_space<vmem>>)
      %dma_wait3A_55 = arith.constant 0 : i32
      %dma_wait3A_56 = tpu.memref_slice %arg4[%add3A, %mul3A_33, %dma_wait3A_55] : memref<32x278x36xi32, #tpu.memory_space<hbm>> -> memref<1x1x36xi32, #tpu.memory_space<hbm>>
      %dma_wait3A_57 = tpu.memref_squeeze %dma_wait3A_56 : memref<1x1x36xi32, #tpu.memory_space<hbm>> -> memref<36xi32, #tpu.memory_space<hbm>>
      %dma_wait3A_58 = arith.constant 0 : i32
      %dma_wait3A_59 = tpu.memref_slice %arg4[%add3A, %mul3A_33, %dma_wait3A_58] : memref<32x278x36xi32, #tpu.memory_space<hbm>> -> memref<1x1x36xi32, #tpu.memory_space<hbm>>
      %dma_wait3A_60 = tpu.memref_squeeze %dma_wait3A_59 : memref<1x1x36xi32, #tpu.memory_space<hbm>> -> memref<36xi32, #tpu.memory_space<hbm>>
      tpu.wait_dma2 semaphore(%arg15 : memref<!tpu.dma_semaphore, #tpu.memory_space<semaphore_mem>>) src(%dma_wait3A_60 : memref<36xi32, #tpu.memory_space<hbm>>) dst(%arg8 : memref<36xi32, #tpu.memory_space<vmem>>)
      "tpu.region"() ({
        %run_scoped3A = tpu.sem_alloc : memref<!tpu.dma_semaphore, #tpu.memory_space<semaphore_mem>>
        %dma_start3A_83 = arith.constant 0 : i32
        %dma_start3A_84 = arith.constant 0 : i32
        %dma_start3A_85 = tpu.memref_slice %arg12[%dma_start3A_83, %dma_start3A_84] : memref<10112x128xf32, #tpu.memory_space<vmem_shared>> -> memref<10112x128xf32, #tpu.memory_space<vmem_shared>>
        tpu.enqueue_indirect_dma source(%arg10 : memref<36x128xf32, #tpu.memory_space<vmem>>) target(%dma_start3A_85 : memref<10112x128xf32, #tpu.memory_space<vmem_shared>>) offsets(%arg8 : memref<36xi32, #tpu.memory_space<vmem>>) semaphore(%run_scoped3A : memref<!tpu.dma_semaphore, #tpu.memory_space<semaphore_mem>>) {add = true}
        %dma_wait3A_86 = arith.constant 0 : i32
        %dma_wait3A_87 = arith.constant 0 : i32
        %dma_wait3A_88 = tpu.memref_slice %arg12[%dma_wait3A_86, %dma_wait3A_87] : memref<10112x128xf32, #tpu.memory_space<vmem_shared>> -> memref<10112x128xf32, #tpu.memory_space<vmem_shared>>
        tpu.wait_indirect_dma semaphore(%run_scoped3A : memref<!tpu.dma_semaphore, #tpu.memory_space<semaphore_mem>>) src(%arg10 : memref<36x128xf32, #tpu.memory_space<vmem>>) dst(%dma_wait3A_88 : memref<10112x128xf32, #tpu.memory_space<vmem_shared>>)
        tpu.yield
      }) : () -> ()
      %add3A_61 = arith.constant 2 : i32
      %add3A_62 = arith.addi %mul3A_33, %add3A_61 : i32
      %lt3A = arith.constant 278 : i32
      %lt3A_63 = arith.cmpi slt, %add3A_62, %lt3A : i32
      %convert_element_type3A_64 = arith.extui %lt3A_63 : i1 to i32
      %cond3A_65 = arith.constant 0 : i32
      %cond3A_66 = arith.cmpi ne, %convert_element_type3A_64, %cond3A_65 : i32
      scf.if %cond3A_66 {
        %add3A_83 = arith.constant 2 : i32
        %add3A_84 = arith.addi %mul3A_33, %add3A_83 : i32
        %dma_start3A_85 = arith.constant 0 : i32
        %dma_start3A_86 = tpu.memref_slice %arg7[%add3A_84, %dma_start3A_85] : memref<278x36xi32, #tpu.memory_space<vmem>> -> memref<1x36xi32, #tpu.memory_space<vmem>>
        %dma_start3A_87 = tpu.memref_squeeze %dma_start3A_86 : memref<1x36xi32, #tpu.memory_space<vmem>> -> memref<36xi32, #tpu.memory_space<vmem>>
        %dma_start3A_88 = arith.constant 0 : i32
        %dma_start3A_89 = arith.constant 0 : i32
        %dma_start3A_90 = tpu.memref_slice %arg2[%dma_start3A_88, %dma_start3A_89] : memref<10000x128xf32, #tpu.memory_space<hbm>> -> memref<10000x128xf32, #tpu.memory_space<hbm>>
        tpu.enqueue_indirect_dma source(%dma_start3A_90 : memref<10000x128xf32, #tpu.memory_space<hbm>>) target(%arg10 : memref<36x128xf32, #tpu.memory_space<vmem>>) offsets(%dma_start3A_87 : memref<36xi32, #tpu.memory_space<vmem>>) semaphore(%arg13 : memref<!tpu.dma_semaphore, #tpu.memory_space<semaphore_mem>>)
        %add3A_91 = arith.constant 2 : i32
        %add3A_92 = arith.addi %mul3A_33, %add3A_91 : i32
        %dma_start3A_93 = arith.constant 0 : i32
        %dma_start3A_94 = tpu.memref_slice %arg4[%add3A, %add3A_92, %dma_start3A_93] : memref<32x278x36xi32, #tpu.memory_space<hbm>> -> memref<1x1x36xi32, #tpu.memory_space<hbm>>
        %dma_start3A_95 = tpu.memref_squeeze %dma_start3A_94 : memref<1x1x36xi32, #tpu.memory_space<hbm>> -> memref<36xi32, #tpu.memory_space<hbm>>
        %dma_start3A_96 = arith.constant 0 : i32
        %dma_start3A_97 = tpu.memref_slice %arg4[%add3A, %add3A_92, %dma_start3A_96] : memref<32x278x36xi32, #tpu.memory_space<hbm>> -> memref<1x1x36xi32, #tpu.memory_space<hbm>>
        %dma_start3A_98 = tpu.memref_squeeze %dma_start3A_97 : memref<1x1x36xi32, #tpu.memory_space<hbm>> -> memref<36xi32, #tpu.memory_space<hbm>>
        tpu.enqueue_dma source(%dma_start3A_98 : memref<36xi32, #tpu.memory_space<hbm>>) target(%arg8 : memref<36xi32, #tpu.memory_space<vmem>>) target_semaphore(%arg15 : memref<!tpu.dma_semaphore, #tpu.memory_space<semaphore_mem>>)
      } else {
      }
      %add3A_67 = arith.constant 1 : i32
      %add3A_68 = arith.addi %mul3A_33, %add3A_67 : i32
      %dma_wait3A_69 = arith.constant 0 : i32
      %dma_wait3A_70 = tpu.memref_slice %arg7[%add3A_68, %dma_wait3A_69] : memref<278x36xi32, #tpu.memory_space<vmem>> -> memref<1x36xi32, #tpu.memory_space<vmem>>
      %dma_wait3A_71 = tpu.memref_squeeze %dma_wait3A_70 : memref<1x36xi32, #tpu.memory_space<vmem>> -> memref<36xi32, #tpu.memory_space<vmem>>
      %dma_wait3A_72 = arith.constant 0 : i32
      %dma_wait3A_73 = arith.constant 0 : i32
      %dma_wait3A_74 = tpu.memref_slice %arg2[%dma_wait3A_72, %dma_wait3A_73] : memref<10000x128xf32, #tpu.memory_space<hbm>> -> memref<10000x128xf32, #tpu.memory_space<hbm>>
      tpu.wait_indirect_dma semaphore(%arg14 : memref<!tpu.dma_semaphore, #tpu.memory_space<semaphore_mem>>) src(%dma_wait3A_74 : memref<10000x128xf32, #tpu.memory_space<hbm>>) dst(%arg11 : memref<36x128xf32, #tpu.memory_space<vmem>>)
      %add3A_75 = arith.constant 1 : i32
      %add3A_76 = arith.addi %mul3A_33, %add3A_75 : i32
      %dma_wait3A_77 = arith.constant 0 : i32
      %dma_wait3A_78 = tpu.memref_slice %arg4[%add3A, %add3A_76, %dma_wait3A_77] : memref<32x278x36xi32, #tpu.memory_space<hbm>> -> memref<1x1x36xi32, #tpu.memory_space<hbm>>
      %dma_wait3A_79 = tpu.memref_squeeze %dma_wait3A_78 : memref<1x1x36xi32, #tpu.memory_space<hbm>> -> memref<36xi32, #tpu.memory_space<hbm>>
      %dma_wait3A_80 = arith.constant 0 : i32
      %dma_wait3A_81 = tpu.memref_slice %arg4[%add3A, %add3A_76, %dma_wait3A_80] : memref<32x278x36xi32, #tpu.memory_space<hbm>> -> memref<1x1x36xi32, #tpu.memory_space<hbm>>
      %dma_wait3A_82 = tpu.memref_squeeze %dma_wait3A_81 : memref<1x1x36xi32, #tpu.memory_space<hbm>> -> memref<36xi32, #tpu.memory_space<hbm>>
      tpu.wait_dma2 semaphore(%arg16 : memref<!tpu.dma_semaphore, #tpu.memory_space<semaphore_mem>>) src(%dma_wait3A_82 : memref<36xi32, #tpu.memory_space<hbm>>) dst(%arg9 : memref<36xi32, #tpu.memory_space<vmem>>)
      "tpu.region"() ({
        %run_scoped3A = tpu.sem_alloc : memref<!tpu.dma_semaphore, #tpu.memory_space<semaphore_mem>>
        %dma_start3A_83 = arith.constant 0 : i32
        %dma_start3A_84 = arith.constant 0 : i32
        %dma_start3A_85 = tpu.memref_slice %arg12[%dma_start3A_83, %dma_start3A_84] : memref<10112x128xf32, #tpu.memory_space<vmem_shared>> -> memref<10112x128xf32, #tpu.memory_space<vmem_shared>>
        tpu.enqueue_indirect_dma source(%arg11 : memref<36x128xf32, #tpu.memory_space<vmem>>) target(%dma_start3A_85 : memref<10112x128xf32, #tpu.memory_space<vmem_shared>>) offsets(%arg9 : memref<36xi32, #tpu.memory_space<vmem>>) semaphore(%run_scoped3A : memref<!tpu.dma_semaphore, #tpu.memory_space<semaphore_mem>>) {add = true}
        %dma_wait3A_86 = arith.constant 0 : i32
        %dma_wait3A_87 = arith.constant 0 : i32
        %dma_wait3A_88 = tpu.memref_slice %arg12[%dma_wait3A_86, %dma_wait3A_87] : memref<10112x128xf32, #tpu.memory_space<vmem_shared>> -> memref<10112x128xf32, #tpu.memory_space<vmem_shared>>
        tpu.wait_indirect_dma semaphore(%run_scoped3A : memref<!tpu.dma_semaphore, #tpu.memory_space<semaphore_mem>>) src(%arg11 : memref<36x128xf32, #tpu.memory_space<vmem>>) dst(%dma_wait3A_88 : memref<10112x128xf32, #tpu.memory_space<vmem_shared>>)
        tpu.yield
      }) : () -> ()
    }
    %scan3A_20 = arith.constant 139 : i32
    %barrier3A_21 = arith.constant 0 : index
    tpu.barrier barrier_id(%barrier3A_21)
    %mul3A_22 = arith.constant 624 : i32
    %mul3A_23 = arith.muli %arg1, %mul3A_22 : i32
    %mul3A_24 = arith.constant 10000 : i32
    %mul3A_25 = arith.muli %arg0, %mul3A_24 : i32
    %mul3A_26 = arith.constant 624 : i32
    %mul3A_27 = arith.muli %arg1, %mul3A_26 : i32
    %add3A_28 = arith.addi %mul3A_25, %mul3A_27 : i32
    "tpu.region"() ({
      %run_scoped3A = tpu.sem_alloc : memref<!tpu.dma_semaphore, #tpu.memory_space<semaphore_mem>>
      %dma_start3A_31 = arith.constant 0 : i32
      %dma_start3A_32 = tpu.memref_slice %arg6[%add3A_28, %dma_start3A_31] : memref<20000x128xf32, #tpu.memory_space<hbm>> -> memref<624x128xf32, #tpu.memory_space<hbm>>
      %dma_start3A_33 = arith.constant 0 : i32
      %dma_start3A_34 = tpu.memref_slice %arg12[%mul3A_23, %dma_start3A_33] : memref<10112x128xf32, #tpu.memory_space<vmem_shared>> -> memref<624x128xf32, #tpu.memory_space<vmem_shared>>
      tpu.enqueue_dma source(%dma_start3A_34 : memref<624x128xf32, #tpu.memory_space<vmem_shared>>) target(%dma_start3A_32 : memref<624x128xf32, #tpu.memory_space<hbm>>) target_semaphore(%run_scoped3A : memref<!tpu.dma_semaphore, #tpu.memory_space<semaphore_mem>>)
      %dma_wait3A = arith.constant 0 : i32
      %dma_wait3A_35 = tpu.memref_slice %arg6[%add3A_28, %dma_wait3A] : memref<20000x128xf32, #tpu.memory_space<hbm>> -> memref<624x128xf32, #tpu.memory_space<hbm>>
      %dma_wait3A_36 = arith.constant 0 : i32
      %dma_wait3A_37 = tpu.memref_slice %arg12[%mul3A_23, %dma_wait3A_36] : memref<10112x128xf32, #tpu.memory_space<vmem_shared>> -> memref<624x128xf32, #tpu.memory_space<vmem_shared>>
      tpu.wait_dma2 semaphore(%run_scoped3A : memref<!tpu.dma_semaphore, #tpu.memory_space<semaphore_mem>>) src(%dma_wait3A_37 : memref<624x128xf32, #tpu.memory_space<vmem_shared>>) dst(%dma_wait3A_35 : memref<624x128xf32, #tpu.memory_space<hbm>>)
      tpu.yield
    }) : () -> ()
    %eq3A = arith.constant 0 : i32
    %eq3A_29 = arith.cmpi eq, %arg1, %eq3A : i32
    %convert_element_type3A = arith.extui %eq3A_29 : i1 to i32
    %cond3A = arith.constant 0 : i32
    %cond3A_30 = arith.cmpi ne, %convert_element_type3A, %cond3A : i32
    scf.if %cond3A_30 {
      %mul3A_31 = arith.constant 10000 : i32
      %mul3A_32 = arith.muli %arg0, %mul3A_31 : i32
      %add3A_33 = arith.constant 9984 : i32
      %add3A_34 = arith.addi %mul3A_32, %add3A_33 : i32
      "tpu.region"() ({
        %run_scoped3A = tpu.sem_alloc : memref<!tpu.dma_semaphore, #tpu.memory_space<semaphore_mem>>
        %dma_start3A_35 = arith.constant 0 : i32
        %dma_start3A_36 = tpu.memref_slice %arg6[%add3A_34, %dma_start3A_35] : memref<20000x128xf32, #tpu.memory_space<hbm>> -> memref<16x128xf32, #tpu.memory_space<hbm>>
        %dma_start3A_37 = arith.constant 9984 : i32
        %dma_start3A_38 = arith.constant 0 : i32
        %dma_start3A_39 = tpu.memref_slice %arg12[%dma_start3A_37, %dma_start3A_38] : memref<10112x128xf32, #tpu.memory_space<vmem_shared>> -> memref<16x128xf32, #tpu.memory_space<vmem_shared>>
        tpu.enqueue_dma source(%dma_start3A_39 : memref<16x128xf32, #tpu.memory_space<vmem_shared>>) target(%dma_start3A_36 : memref<16x128xf32, #tpu.memory_space<hbm>>) target_semaphore(%run_scoped3A : memref<!tpu.dma_semaphore, #tpu.memory_space<semaphore_mem>>)
        %dma_wait3A = arith.constant 0 : i32
        %dma_wait3A_40 = tpu.memref_slice %arg6[%add3A_34, %dma_wait3A] : memref<20000x128xf32, #tpu.memory_space<hbm>> -> memref<16x128xf32, #tpu.memory_space<hbm>>
        %dma_wait3A_41 = arith.constant 9984 : i32
        %dma_wait3A_42 = arith.constant 0 : i32
        %dma_wait3A_43 = tpu.memref_slice %arg12[%dma_wait3A_41, %dma_wait3A_42] : memref<10112x128xf32, #tpu.memory_space<vmem_shared>> -> memref<16x128xf32, #tpu.memory_space<vmem_shared>>
        tpu.wait_dma2 semaphore(%run_scoped3A : memref<!tpu.dma_semaphore, #tpu.memory_space<semaphore_mem>>) src(%dma_wait3A_43 : memref<16x128xf32, #tpu.memory_space<vmem_shared>>) dst(%dma_wait3A_40 : memref<16x128xf32, #tpu.memory_space<hbm>>)
        tpu.yield
      }) : () -> ()
    } else {
    }
    return
  }
}

#map = affine_map<(d0, d1) -> (0, 0)>
#map1 = affine_map<(d0, d1) -> (0, 0, 0)>
module attributes {stable_mosaic.version = 14 : i64} {
  func.func @_seg_sum_body(%arg0: i32, %arg1: i32, %arg2: memref<10000x128xf32, #tpu.memory_space<hbm>>, %arg3: memref<32x278x36xi32, #tpu.memory_space<hbm>>, %arg4: memref<32x278x36xi32, #tpu.memory_space<hbm>>, %arg5: memref<632x128xf32, #tpu.memory_space<hbm>>, %arg6: memref<20000x128xf32, #tpu.memory_space<hbm>>, %arg7: memref<278x36xi32, #tpu.memory_space<vmem>>, %arg8: memref<36xi32, #tpu.memory_space<vmem>>, %arg9: memref<36xi32, #tpu.memory_space<vmem>>, %arg10: memref<36x128xf32, #tpu.memory_space<vmem>>, %arg11: memref<36x128xf32, #tpu.memory_space<vmem>>, %arg12: memref<10112x128xf32, #tpu.memory_space<vmem_shared>>, %arg13: memref<!tpu.dma_semaphore, #tpu.memory_space<semaphore_mem>>, %arg14: memref<!tpu.dma_semaphore, #tpu.memory_space<semaphore_mem>>, %arg15: memref<!tpu.dma_semaphore, #tpu.memory_space<semaphore_mem>>, %arg16: memref<!tpu.dma_semaphore, #tpu.memory_space<semaphore_mem>>) attributes {dimension_semantics = [#tpu.dimension_semantics<core_parallel>, #tpu.dimension_semantics<subcore_parallel>], iteration_bounds = array<i64: 2, 16>, scalar_prefetch = 0 : i64, scratch_operands = 10 : i64, tpu.core_type = #tpu.core_type<sc_vector_subcore>, window_params = [{transform_indices = #map}, {transform_indices = #map1}, {transform_indices = #map1}, {transform_indices = #map}, {transform_indices = #map}]} {
    %mul3A = arith.constant 2 : i32
    %mul3A_0 = arith.muli %arg1, %mul3A : i32
    %add3A = arith.addi %mul3A_0, %arg0 : i32
    "tpu.region"() ({
      %run_scoped3A = tpu.sem_alloc : memref<!tpu.dma_semaphore, #tpu.memory_space<semaphore_mem>>
      %dma_start3A_31 = arith.constant 0 : i32
      %dma_start3A_32 = arith.constant 0 : i32
      %dma_start3A_33 = tpu.memref_slice %arg3[%add3A, %dma_start3A_31, %dma_start3A_32] : memref<32x278x36xi32, #tpu.memory_space<hbm>> -> memref<1x278x36xi32, #tpu.memory_space<hbm>>
      %dma_start3A_34 = tpu.memref_squeeze %dma_start3A_33 : memref<1x278x36xi32, #tpu.memory_space<hbm>> -> memref<278x36xi32, #tpu.memory_space<hbm>>
      %dma_start3A_35 = arith.constant 0 : i32
      %dma_start3A_36 = arith.constant 0 : i32
      %dma_start3A_37 = tpu.memref_slice %arg3[%add3A, %dma_start3A_35, %dma_start3A_36] : memref<32x278x36xi32, #tpu.memory_space<hbm>> -> memref<1x278x36xi32, #tpu.memory_space<hbm>>
      %dma_start3A_38 = tpu.memref_squeeze %dma_start3A_37 : memref<1x278x36xi32, #tpu.memory_space<hbm>> -> memref<278x36xi32, #tpu.memory_space<hbm>>
      tpu.enqueue_dma source(%dma_start3A_38 : memref<278x36xi32, #tpu.memory_space<hbm>>) target(%arg7 : memref<278x36xi32, #tpu.memory_space<vmem>>) target_semaphore(%run_scoped3A : memref<!tpu.dma_semaphore, #tpu.memory_space<semaphore_mem>>)
      %dma_wait3A = arith.constant 0 : i32
      %dma_wait3A_39 = arith.constant 0 : i32
      %dma_wait3A_40 = tpu.memref_slice %arg3[%add3A, %dma_wait3A, %dma_wait3A_39] : memref<32x278x36xi32, #tpu.memory_space<hbm>> -> memref<1x278x36xi32, #tpu.memory_space<hbm>>
      %dma_wait3A_41 = tpu.memref_squeeze %dma_wait3A_40 : memref<1x278x36xi32, #tpu.memory_space<hbm>> -> memref<278x36xi32, #tpu.memory_space<hbm>>
      %dma_wait3A_42 = arith.constant 0 : i32
      %dma_wait3A_43 = arith.constant 0 : i32
      %dma_wait3A_44 = tpu.memref_slice %arg3[%add3A, %dma_wait3A_42, %dma_wait3A_43] : memref<32x278x36xi32, #tpu.memory_space<hbm>> -> memref<1x278x36xi32, #tpu.memory_space<hbm>>
      %dma_wait3A_45 = tpu.memref_squeeze %dma_wait3A_44 : memref<1x278x36xi32, #tpu.memory_space<hbm>> -> memref<278x36xi32, #tpu.memory_space<hbm>>
      tpu.wait_dma2 semaphore(%run_scoped3A : memref<!tpu.dma_semaphore, #tpu.memory_space<semaphore_mem>>) src(%dma_wait3A_45 : memref<278x36xi32, #tpu.memory_space<hbm>>) dst(%arg7 : memref<278x36xi32, #tpu.memory_space<vmem>>)
      tpu.yield
    }) : () -> ()
    %mul3A_1 = arith.constant 632 : i32
    %mul3A_2 = arith.muli %arg1, %mul3A_1 : i32
    "tpu.region"() ({
      %run_scoped3A = tpu.sem_alloc : memref<!tpu.dma_semaphore, #tpu.memory_space<semaphore_mem>>
      %dma_start3A_31 = arith.constant 0 : i32
      %dma_start3A_32 = tpu.memref_slice %arg12[%mul3A_2, %dma_start3A_31] : memref<10112x128xf32, #tpu.memory_space<vmem_shared>> -> memref<632x128xf32, #tpu.memory_space<vmem_shared>>
      tpu.enqueue_dma source(%arg5 : memref<632x128xf32, #tpu.memory_space<hbm>>) target(%dma_start3A_32 : memref<632x128xf32, #tpu.memory_space<vmem_shared>>) target_semaphore(%run_scoped3A : memref<!tpu.dma_semaphore, #tpu.memory_space<semaphore_mem>>)
      %dma_wait3A = arith.constant 0 : i32
      %dma_wait3A_33 = tpu.memref_slice %arg12[%mul3A_2, %dma_wait3A] : memref<10112x128xf32, #tpu.memory_space<vmem_shared>> -> memref<632x128xf32, #tpu.memory_space<vmem_shared>>
      tpu.wait_dma2 semaphore(%run_scoped3A : memref<!tpu.dma_semaphore, #tpu.memory_space<semaphore_mem>>) src(%arg5 : memref<632x128xf32, #tpu.memory_space<hbm>>) dst(%dma_wait3A_33 : memref<632x128xf32, #tpu.memory_space<vmem_shared>>)
      tpu.yield
    }) : () -> ()
    %barrier3A = arith.constant 0 : index
    tpu.barrier barrier_id(%barrier3A)
    %dma_start3A = arith.constant 0 : i32
    %dma_start3A_3 = arith.constant 0 : i32
    %dma_start3A_4 = tpu.memref_slice %arg7[%dma_start3A, %dma_start3A_3] : memref<278x36xi32, #tpu.memory_space<vmem>> -> memref<1x36xi32, #tpu.memory_space<vmem>>
    %dma_start3A_5 = tpu.memref_squeeze %dma_start3A_4 : memref<1x36xi32, #tpu.memory_space<vmem>> -> memref<36xi32, #tpu.memory_space<vmem>>
    %dma_start3A_6 = arith.constant 0 : i32
    %dma_start3A_7 = arith.constant 0 : i32
    %dma_start3A_8 = tpu.memref_slice %arg2[%dma_start3A_6, %dma_start3A_7] : memref<10000x128xf32, #tpu.memory_space<hbm>> -> memref<10000x128xf32, #tpu.memory_space<hbm>>
    tpu.enqueue_indirect_dma source(%dma_start3A_8 : memref<10000x128xf32, #tpu.memory_space<hbm>>) target(%arg10 : memref<36x128xf32, #tpu.memory_space<vmem>>) offsets(%dma_start3A_5 : memref<36xi32, #tpu.memory_space<vmem>>) semaphore(%arg13 : memref<!tpu.dma_semaphore, #tpu.memory_space<semaphore_mem>>)
    %dma_start3A_9 = arith.constant 0 : i32
    %dma_start3A_10 = arith.constant 0 : i32
    %dma_start3A_11 = tpu.memref_slice %arg4[%add3A, %dma_start3A_9, %dma_start3A_10] : memref<32x278x36xi32, #tpu.memory_space<hbm>> -> memref<1x1x36xi32, #tpu.memory_space<hbm>>
    %dma_start3A_12 = tpu.memref_squeeze %dma_start3A_11 : memref<1x1x36xi32, #tpu.memory_space<hbm>> -> memref<36xi32, #tpu.memory_space<hbm>>
    %dma_start3A_13 = arith.constant 0 : i32
    %dma_start3A_14 = tpu.memref_slice %arg4[%add3A, %dma_start3A_9, %dma_start3A_13] : memref<32x278x36xi32, #tpu.memory_space<hbm>> -> memref<1x1x36xi32, #tpu.memory_space<hbm>>
    %dma_start3A_15 = tpu.memref_squeeze %dma_start3A_14 : memref<1x1x36xi32, #tpu.memory_space<hbm>> -> memref<36xi32, #tpu.memory_space<hbm>>
    tpu.enqueue_dma source(%dma_start3A_15 : memref<36xi32, #tpu.memory_space<hbm>>) target(%arg8 : memref<36xi32, #tpu.memory_space<vmem>>) target_semaphore(%arg15 : memref<!tpu.dma_semaphore, #tpu.memory_space<semaphore_mem>>)
    %scan3A = arith.constant 0 : i32
    %scan3A_16 = arith.constant 0 : i32
    %scan3A_17 = arith.constant 139 : i32
    %scan3A_18 = arith.addi %scan3A_16, %scan3A_17 : i32
    %scan3A_19 = arith.constant 1 : i32
    scf.for %scan3A_31 = %scan3A_16 to %scan3A_18 step %scan3A_19  : i32 {
      %mul3A_32 = arith.constant 2 : i32
      %mul3A_33 = arith.muli %mul3A_32, %scan3A_31 : i32
      %add3A_34 = arith.constant 1 : i32
      %add3A_35 = arith.addi %mul3A_33, %add3A_34 : i32
      %dma_start3A_36 = arith.constant 0 : i32
      %dma_start3A_37 = tpu.memref_slice %arg7[%add3A_35, %dma_start3A_36] : memref<278x36xi32, #tpu.memory_space<vmem>> -> memref<1x36xi32, #tpu.memory_space<vmem>>
      %dma_start3A_38 = tpu.memref_squeeze %dma_start3A_37 : memref<1x36xi32, #tpu.memory_space<vmem>> -> memref<36xi32, #tpu.memory_space<vmem>>
      %dma_start3A_39 = arith.constant 0 : i32
      %dma_start3A_40 = arith.constant 0 : i32
      %dma_start3A_41 = tpu.memref_slice %arg2[%dma_start3A_39, %dma_start3A_40] : memref<10000x128xf32, #tpu.memory_space<hbm>> -> memref<10000x128xf32, #tpu.memory_space<hbm>>
      tpu.enqueue_indirect_dma source(%dma_start3A_41 : memref<10000x128xf32, #tpu.memory_space<hbm>>) target(%arg11 : memref<36x128xf32, #tpu.memory_space<vmem>>) offsets(%dma_start3A_38 : memref<36xi32, #tpu.memory_space<vmem>>) semaphore(%arg14 : memref<!tpu.dma_semaphore, #tpu.memory_space<semaphore_mem>>)
      %add3A_42 = arith.constant 1 : i32
      %add3A_43 = arith.addi %mul3A_33, %add3A_42 : i32
      %dma_start3A_44 = arith.constant 0 : i32
      %dma_start3A_45 = tpu.memref_slice %arg4[%add3A, %add3A_43, %dma_start3A_44] : memref<32x278x36xi32, #tpu.memory_space<hbm>> -> memref<1x1x36xi32, #tpu.memory_space<hbm>>
      %dma_start3A_46 = tpu.memref_squeeze %dma_start3A_45 : memref<1x1x36xi32, #tpu.memory_space<hbm>> -> memref<36xi32, #tpu.memory_space<hbm>>
      %dma_start3A_47 = arith.constant 0 : i32
      %dma_start3A_48 = tpu.memref_slice %arg4[%add3A, %add3A_43, %dma_start3A_47] : memref<32x278x36xi32, #tpu.memory_space<hbm>> -> memref<1x1x36xi32, #tpu.memory_space<hbm>>
      %dma_start3A_49 = tpu.memref_squeeze %dma_start3A_48 : memref<1x1x36xi32, #tpu.memory_space<hbm>> -> memref<36xi32, #tpu.memory_space<hbm>>
      tpu.enqueue_dma source(%dma_start3A_49 : memref<36xi32, #tpu.memory_space<hbm>>) target(%arg9 : memref<36xi32, #tpu.memory_space<vmem>>) target_semaphore(%arg16 : memref<!tpu.dma_semaphore, #tpu.memory_space<semaphore_mem>>)
      %dma_wait3A = arith.constant 0 : i32
      %dma_wait3A_50 = tpu.memref_slice %arg7[%mul3A_33, %dma_wait3A] : memref<278x36xi32, #tpu.memory_space<vmem>> -> memref<1x36xi32, #tpu.memory_space<vmem>>
      %dma_wait3A_51 = tpu.memref_squeeze %dma_wait3A_50 : memref<1x36xi32, #tpu.memory_space<vmem>> -> memref<36xi32, #tpu.memory_space<vmem>>
      %dma_wait3A_52 = arith.constant 0 : i32
      %dma_wait3A_53 = arith.constant 0 : i32
      %dma_wait3A_54 = tpu.memref_slice %arg2[%dma_wait3A_52, %dma_wait3A_53] : memref<10000x128xf32, #tpu.memory_space<hbm>> -> memref<10000x128xf32, #tpu.memory_space<hbm>>
      tpu.wait_indirect_dma semaphore(%arg13 : memref<!tpu.dma_semaphore, #tpu.memory_space<semaphore_mem>>) src(%dma_wait3A_54 : memref<10000x128xf32, #tpu.memory_space<hbm>>) dst(%arg10 : memref<36x128xf32, #tpu.memory_space<vmem>>)
      %dma_wait3A_55 = arith.constant 0 : i32
      %dma_wait3A_56 = tpu.memref_slice %arg4[%add3A, %mul3A_33, %dma_wait3A_55] : memref<32x278x36xi32, #tpu.memory_space<hbm>> -> memref<1x1x36xi32, #tpu.memory_space<hbm>>
      %dma_wait3A_57 = tpu.memref_squeeze %dma_wait3A_56 : memref<1x1x36xi32, #tpu.memory_space<hbm>> -> memref<36xi32, #tpu.memory_space<hbm>>
      %dma_wait3A_58 = arith.constant 0 : i32
      %dma_wait3A_59 = tpu.memref_slice %arg4[%add3A, %mul3A_33, %dma_wait3A_58] : memref<32x278x36xi32, #tpu.memory_space<hbm>> -> memref<1x1x36xi32, #tpu.memory_space<hbm>>
      %dma_wait3A_60 = tpu.memref_squeeze %dma_wait3A_59 : memref<1x1x36xi32, #tpu.memory_space<hbm>> -> memref<36xi32, #tpu.memory_space<hbm>>
      tpu.wait_dma2 semaphore(%arg15 : memref<!tpu.dma_semaphore, #tpu.memory_space<semaphore_mem>>) src(%dma_wait3A_60 : memref<36xi32, #tpu.memory_space<hbm>>) dst(%arg8 : memref<36xi32, #tpu.memory_space<vmem>>)
      "tpu.region"() ({
        %run_scoped3A = tpu.sem_alloc : memref<!tpu.dma_semaphore, #tpu.memory_space<semaphore_mem>>
        %dma_start3A_83 = arith.constant 0 : i32
        %dma_start3A_84 = arith.constant 0 : i32
        %dma_start3A_85 = tpu.memref_slice %arg12[%dma_start3A_83, %dma_start3A_84] : memref<10112x128xf32, #tpu.memory_space<vmem_shared>> -> memref<10112x128xf32, #tpu.memory_space<vmem_shared>>
        tpu.enqueue_indirect_dma source(%arg10 : memref<36x128xf32, #tpu.memory_space<vmem>>) target(%dma_start3A_85 : memref<10112x128xf32, #tpu.memory_space<vmem_shared>>) offsets(%arg8 : memref<36xi32, #tpu.memory_space<vmem>>) semaphore(%run_scoped3A : memref<!tpu.dma_semaphore, #tpu.memory_space<semaphore_mem>>) {add = true}
        %dma_wait3A_86 = arith.constant 0 : i32
        %dma_wait3A_87 = arith.constant 0 : i32
        %dma_wait3A_88 = tpu.memref_slice %arg12[%dma_wait3A_86, %dma_wait3A_87] : memref<10112x128xf32, #tpu.memory_space<vmem_shared>> -> memref<10112x128xf32, #tpu.memory_space<vmem_shared>>
        tpu.wait_indirect_dma semaphore(%run_scoped3A : memref<!tpu.dma_semaphore, #tpu.memory_space<semaphore_mem>>) src(%arg10 : memref<36x128xf32, #tpu.memory_space<vmem>>) dst(%dma_wait3A_88 : memref<10112x128xf32, #tpu.memory_space<vmem_shared>>)
        tpu.yield
      }) : () -> ()
      %add3A_61 = arith.constant 2 : i32
      %add3A_62 = arith.addi %mul3A_33, %add3A_61 : i32
      %lt3A = arith.constant 278 : i32
      %lt3A_63 = arith.cmpi slt, %add3A_62, %lt3A : i32
      %convert_element_type3A_64 = arith.extui %lt3A_63 : i1 to i32
      %cond3A_65 = arith.constant 0 : i32
      %cond3A_66 = arith.cmpi ne, %convert_element_type3A_64, %cond3A_65 : i32
      scf.if %cond3A_66 {
        %add3A_83 = arith.constant 2 : i32
        %add3A_84 = arith.addi %mul3A_33, %add3A_83 : i32
        %dma_start3A_85 = arith.constant 0 : i32
        %dma_start3A_86 = tpu.memref_slice %arg7[%add3A_84, %dma_start3A_85] : memref<278x36xi32, #tpu.memory_space<vmem>> -> memref<1x36xi32, #tpu.memory_space<vmem>>
        %dma_start3A_87 = tpu.memref_squeeze %dma_start3A_86 : memref<1x36xi32, #tpu.memory_space<vmem>> -> memref<36xi32, #tpu.memory_space<vmem>>
        %dma_start3A_88 = arith.constant 0 : i32
        %dma_start3A_89 = arith.constant 0 : i32
        %dma_start3A_90 = tpu.memref_slice %arg2[%dma_start3A_88, %dma_start3A_89] : memref<10000x128xf32, #tpu.memory_space<hbm>> -> memref<10000x128xf32, #tpu.memory_space<hbm>>
        tpu.enqueue_indirect_dma source(%dma_start3A_90 : memref<10000x128xf32, #tpu.memory_space<hbm>>) target(%arg10 : memref<36x128xf32, #tpu.memory_space<vmem>>) offsets(%dma_start3A_87 : memref<36xi32, #tpu.memory_space<vmem>>) semaphore(%arg13 : memref<!tpu.dma_semaphore, #tpu.memory_space<semaphore_mem>>)
        %add3A_91 = arith.constant 2 : i32
        %add3A_92 = arith.addi %mul3A_33, %add3A_91 : i32
        %dma_start3A_93 = arith.constant 0 : i32
        %dma_start3A_94 = tpu.memref_slice %arg4[%add3A, %add3A_92, %dma_start3A_93] : memref<32x278x36xi32, #tpu.memory_space<hbm>> -> memref<1x1x36xi32, #tpu.memory_space<hbm>>
        %dma_start3A_95 = tpu.memref_squeeze %dma_start3A_94 : memref<1x1x36xi32, #tpu.memory_space<hbm>> -> memref<36xi32, #tpu.memory_space<hbm>>
        %dma_start3A_96 = arith.constant 0 : i32
        %dma_start3A_97 = tpu.memref_slice %arg4[%add3A, %add3A_92, %dma_start3A_96] : memref<32x278x36xi32, #tpu.memory_space<hbm>> -> memref<1x1x36xi32, #tpu.memory_space<hbm>>
        %dma_start3A_98 = tpu.memref_squeeze %dma_start3A_97 : memref<1x1x36xi32, #tpu.memory_space<hbm>> -> memref<36xi32, #tpu.memory_space<hbm>>
        tpu.enqueue_dma source(%dma_start3A_98 : memref<36xi32, #tpu.memory_space<hbm>>) target(%arg8 : memref<36xi32, #tpu.memory_space<vmem>>) target_semaphore(%arg15 : memref<!tpu.dma_semaphore, #tpu.memory_space<semaphore_mem>>)
      } else {
      }
      %add3A_67 = arith.constant 1 : i32
      %add3A_68 = arith.addi %mul3A_33, %add3A_67 : i32
      %dma_wait3A_69 = arith.constant 0 : i32
      %dma_wait3A_70 = tpu.memref_slice %arg7[%add3A_68, %dma_wait3A_69] : memref<278x36xi32, #tpu.memory_space<vmem>> -> memref<1x36xi32, #tpu.memory_space<vmem>>
      %dma_wait3A_71 = tpu.memref_squeeze %dma_wait3A_70 : memref<1x36xi32, #tpu.memory_space<vmem>> -> memref<36xi32, #tpu.memory_space<vmem>>
      %dma_wait3A_72 = arith.constant 0 : i32
      %dma_wait3A_73 = arith.constant 0 : i32
      %dma_wait3A_74 = tpu.memref_slice %arg2[%dma_wait3A_72, %dma_wait3A_73] : memref<10000x128xf32, #tpu.memory_space<hbm>> -> memref<10000x128xf32, #tpu.memory_space<hbm>>
      tpu.wait_indirect_dma semaphore(%arg14 : memref<!tpu.dma_semaphore, #tpu.memory_space<semaphore_mem>>) src(%dma_wait3A_74 : memref<10000x128xf32, #tpu.memory_space<hbm>>) dst(%arg11 : memref<36x128xf32, #tpu.memory_space<vmem>>)
      %add3A_75 = arith.constant 1 : i32
      %add3A_76 = arith.addi %mul3A_33, %add3A_75 : i32
      %dma_wait3A_77 = arith.constant 0 : i32
      %dma_wait3A_78 = tpu.memref_slice %arg4[%add3A, %add3A_76, %dma_wait3A_77] : memref<32x278x36xi32, #tpu.memory_space<hbm>> -> memref<1x1x36xi32, #tpu.memory_space<hbm>>
      %dma_wait3A_79 = tpu.memref_squeeze %dma_wait3A_78 : memref<1x1x36xi32, #tpu.memory_space<hbm>> -> memref<36xi32, #tpu.memory_space<hbm>>
      %dma_wait3A_80 = arith.constant 0 : i32
      %dma_wait3A_81 = tpu.memref_slice %arg4[%add3A, %add3A_76, %dma_wait3A_80] : memref<32x278x36xi32, #tpu.memory_space<hbm>> -> memref<1x1x36xi32, #tpu.memory_space<hbm>>
      %dma_wait3A_82 = tpu.memref_squeeze %dma_wait3A_81 : memref<1x1x36xi32, #tpu.memory_space<hbm>> -> memref<36xi32, #tpu.memory_space<hbm>>
      tpu.wait_dma2 semaphore(%arg16 : memref<!tpu.dma_semaphore, #tpu.memory_space<semaphore_mem>>) src(%dma_wait3A_82 : memref<36xi32, #tpu.memory_space<hbm>>) dst(%arg9 : memref<36xi32, #tpu.memory_space<vmem>>)
      "tpu.region"() ({
        %run_scoped3A = tpu.sem_alloc : memref<!tpu.dma_semaphore, #tpu.memory_space<semaphore_mem>>
        %dma_start3A_83 = arith.constant 0 : i32
        %dma_start3A_84 = arith.constant 0 : i32
        %dma_start3A_85 = tpu.memref_slice %arg12[%dma_start3A_83, %dma_start3A_84] : memref<10112x128xf32, #tpu.memory_space<vmem_shared>> -> memref<10112x128xf32, #tpu.memory_space<vmem_shared>>
        tpu.enqueue_indirect_dma source(%arg11 : memref<36x128xf32, #tpu.memory_space<vmem>>) target(%dma_start3A_85 : memref<10112x128xf32, #tpu.memory_space<vmem_shared>>) offsets(%arg9 : memref<36xi32, #tpu.memory_space<vmem>>) semaphore(%run_scoped3A : memref<!tpu.dma_semaphore, #tpu.memory_space<semaphore_mem>>) {add = true}
        %dma_wait3A_86 = arith.constant 0 : i32
        %dma_wait3A_87 = arith.constant 0 : i32
        %dma_wait3A_88 = tpu.memref_slice %arg12[%dma_wait3A_86, %dma_wait3A_87] : memref<10112x128xf32, #tpu.memory_space<vmem_shared>> -> memref<10112x128xf32, #tpu.memory_space<vmem_shared>>
        tpu.wait_indirect_dma semaphore(%run_scoped3A : memref<!tpu.dma_semaphore, #tpu.memory_space<semaphore_mem>>) src(%arg11 : memref<36x128xf32, #tpu.memory_space<vmem>>) dst(%dma_wait3A_88 : memref<10112x128xf32, #tpu.memory_space<vmem_shared>>)
        tpu.yield
      }) : () -> ()
    }
    %scan3A_20 = arith.constant 139 : i32
    %barrier3A_21 = arith.constant 0 : index
    tpu.barrier barrier_id(%barrier3A_21)
    %mul3A_22 = arith.constant 624 : i32
    %mul3A_23 = arith.muli %arg1, %mul3A_22 : i32
    %mul3A_24 = arith.constant 10000 : i32
    %mul3A_25 = arith.muli %arg0, %mul3A_24 : i32
    %mul3A_26 = arith.constant 624 : i32
    %mul3A_27 = arith.muli %arg1, %mul3A_26 : i32
    %add3A_28 = arith.addi %mul3A_25, %mul3A_27 : i32
    "tpu.region"() ({
      %run_scoped3A = tpu.sem_alloc : memref<!tpu.dma_semaphore, #tpu.memory_space<semaphore_mem>>
      %dma_start3A_31 = arith.constant 0 : i32
      %dma_start3A_32 = tpu.memref_slice %arg6[%add3A_28, %dma_start3A_31] : memref<20000x128xf32, #tpu.memory_space<hbm>> -> memref<624x128xf32, #tpu.memory_space<hbm>>
      %dma_start3A_33 = arith.constant 0 : i32
      %dma_start3A_34 = tpu.memref_slice %arg12[%mul3A_23, %dma_start3A_33] : memref<10112x128xf32, #tpu.memory_space<vmem_shared>> -> memref<624x128xf32, #tpu.memory_space<vmem_shared>>
      tpu.enqueue_dma source(%dma_start3A_34 : memref<624x128xf32, #tpu.memory_space<vmem_shared>>) target(%dma_start3A_32 : memref<624x128xf32, #tpu.memory_space<hbm>>) target_semaphore(%run_scoped3A : memref<!tpu.dma_semaphore, #tpu.memory_space<semaphore_mem>>)
      %dma_wait3A = arith.constant 0 : i32
      %dma_wait3A_35 = tpu.memref_slice %arg6[%add3A_28, %dma_wait3A] : memref<20000x128xf32, #tpu.memory_space<hbm>> -> memref<624x128xf32, #tpu.memory_space<hbm>>
      %dma_wait3A_36 = arith.constant 0 : i32
      %dma_wait3A_37 = tpu.memref_slice %arg12[%mul3A_23, %dma_wait3A_36] : memref<10112x128xf32, #tpu.memory_space<vmem_shared>> -> memref<624x128xf32, #tpu.memory_space<vmem_shared>>
      tpu.wait_dma2 semaphore(%run_scoped3A : memref<!tpu.dma_semaphore, #tpu.memory_space<semaphore_mem>>) src(%dma_wait3A_37 : memref<624x128xf32, #tpu.memory_space<vmem_shared>>) dst(%dma_wait3A_35 : memref<624x128xf32, #tpu.memory_space<hbm>>)
      tpu.yield
    }) : () -> ()
    %eq3A = arith.constant 0 : i32
    %eq3A_29 = arith.cmpi eq, %arg1, %eq3A : i32
    %convert_element_type3A = arith.extui %eq3A_29 : i1 to i32
    %cond3A = arith.constant 0 : i32
    %cond3A_30 = arith.cmpi ne, %convert_element_type3A, %cond3A : i32
    scf.if %cond3A_30 {
      %mul3A_31 = arith.constant 10000 : i32
      %mul3A_32 = arith.muli %arg0, %mul3A_31 : i32
      %add3A_33 = arith.constant 9984 : i32
      %add3A_34 = arith.addi %mul3A_32, %add3A_33 : i32
      "tpu.region"() ({
        %run_scoped3A = tpu.sem_alloc : memref<!tpu.dma_semaphore, #tpu.memory_space<semaphore_mem>>
        %dma_start3A_35 = arith.constant 0 : i32
        %dma_start3A_36 = tpu.memref_slice %arg6[%add3A_34, %dma_start3A_35] : memref<20000x128xf32, #tpu.memory_space<hbm>> -> memref<16x128xf32, #tpu.memory_space<hbm>>
        %dma_start3A_37 = arith.constant 9984 : i32
        %dma_start3A_38 = arith.constant 0 : i32
        %dma_start3A_39 = tpu.memref_slice %arg12[%dma_start3A_37, %dma_start3A_38] : memref<10112x128xf32, #tpu.memory_space<vmem_shared>> -> memref<16x128xf32, #tpu.memory_space<vmem_shared>>
        tpu.enqueue_dma source(%dma_start3A_39 : memref<16x128xf32, #tpu.memory_space<vmem_shared>>) target(%dma_start3A_36 : memref<16x128xf32, #tpu.memory_space<hbm>>) target_semaphore(%run_scoped3A : memref<!tpu.dma_semaphore, #tpu.memory_space<semaphore_mem>>)
        %dma_wait3A = arith.constant 0 : i32
        %dma_wait3A_40 = tpu.memref_slice %arg6[%add3A_34, %dma_wait3A] : memref<20000x128xf32, #tpu.memory_space<hbm>> -> memref<16x128xf32, #tpu.memory_space<hbm>>
        %dma_wait3A_41 = arith.constant 9984 : i32
        %dma_wait3A_42 = arith.constant 0 : i32
        %dma_wait3A_43 = tpu.memref_slice %arg12[%dma_wait3A_41, %dma_wait3A_42] : memref<10112x128xf32, #tpu.memory_space<vmem_shared>> -> memref<16x128xf32, #tpu.memory_space<vmem_shared>>
        tpu.wait_dma2 semaphore(%run_scoped3A : memref<!tpu.dma_semaphore, #tpu.memory_space<semaphore_mem>>) src(%dma_wait3A_43 : memref<16x128xf32, #tpu.memory_space<vmem_shared>>) dst(%dma_wait3A_40 : memref<16x128xf32, #tpu.memory_space<hbm>>)
        tpu.yield
      }) : () -> ()
    } else {
    }
    return
  }
}

#map = affine_map<(d0, d1) -> (0, 0)>
#map1 = affine_map<(d0, d1) -> (0, 0, 0)>
module attributes {stable_mosaic.version = 14 : i64} {
  func.func @_seg_sum_body(%arg0: i32, %arg1: i32, %arg2: memref<10000x128xf32, #tpu.memory_space<hbm>>, %arg3: memref<32x278x36xi32, #tpu.memory_space<hbm>>, %arg4: memref<32x278x36xi32, #tpu.memory_space<hbm>>, %arg5: memref<632x128xf32, #tpu.memory_space<hbm>>, %arg6: memref<20000x128xf32, #tpu.memory_space<hbm>>, %arg7: memref<278x36xi32, #tpu.memory_space<vmem>>, %arg8: memref<36xi32, #tpu.memory_space<vmem>>, %arg9: memref<36xi32, #tpu.memory_space<vmem>>, %arg10: memref<36x128xf32, #tpu.memory_space<vmem>>, %arg11: memref<36x128xf32, #tpu.memory_space<vmem>>, %arg12: memref<10112x128xf32, #tpu.memory_space<vmem_shared>>, %arg13: memref<!tpu.dma_semaphore, #tpu.memory_space<semaphore_mem>>, %arg14: memref<!tpu.dma_semaphore, #tpu.memory_space<semaphore_mem>>, %arg15: memref<!tpu.dma_semaphore, #tpu.memory_space<semaphore_mem>>, %arg16: memref<!tpu.dma_semaphore, #tpu.memory_space<semaphore_mem>>) attributes {dimension_semantics = [#tpu.dimension_semantics<core_parallel>, #tpu.dimension_semantics<subcore_parallel>], iteration_bounds = array<i64: 2, 16>, scalar_prefetch = 0 : i64, scratch_operands = 10 : i64, tpu.core_type = #tpu.core_type<sc_vector_subcore>, window_params = [{transform_indices = #map}, {transform_indices = #map1}, {transform_indices = #map1}, {transform_indices = #map}, {transform_indices = #map}]} {
    %mul3A = arith.constant 2 : i32
    %mul3A_0 = arith.muli %arg1, %mul3A : i32
    %add3A = arith.addi %mul3A_0, %arg0 : i32
    "tpu.region"() ({
      %run_scoped3A = tpu.sem_alloc : memref<!tpu.dma_semaphore, #tpu.memory_space<semaphore_mem>>
      %dma_start3A_31 = arith.constant 0 : i32
      %dma_start3A_32 = arith.constant 0 : i32
      %dma_start3A_33 = tpu.memref_slice %arg3[%add3A, %dma_start3A_31, %dma_start3A_32] : memref<32x278x36xi32, #tpu.memory_space<hbm>> -> memref<1x278x36xi32, #tpu.memory_space<hbm>>
      %dma_start3A_34 = tpu.memref_squeeze %dma_start3A_33 : memref<1x278x36xi32, #tpu.memory_space<hbm>> -> memref<278x36xi32, #tpu.memory_space<hbm>>
      %dma_start3A_35 = arith.constant 0 : i32
      %dma_start3A_36 = arith.constant 0 : i32
      %dma_start3A_37 = tpu.memref_slice %arg3[%add3A, %dma_start3A_35, %dma_start3A_36] : memref<32x278x36xi32, #tpu.memory_space<hbm>> -> memref<1x278x36xi32, #tpu.memory_space<hbm>>
      %dma_start3A_38 = tpu.memref_squeeze %dma_start3A_37 : memref<1x278x36xi32, #tpu.memory_space<hbm>> -> memref<278x36xi32, #tpu.memory_space<hbm>>
      tpu.enqueue_dma source(%dma_start3A_38 : memref<278x36xi32, #tpu.memory_space<hbm>>) target(%arg7 : memref<278x36xi32, #tpu.memory_space<vmem>>) target_semaphore(%run_scoped3A : memref<!tpu.dma_semaphore, #tpu.memory_space<semaphore_mem>>)
      %dma_wait3A = arith.constant 0 : i32
      %dma_wait3A_39 = arith.constant 0 : i32
      %dma_wait3A_40 = tpu.memref_slice %arg3[%add3A, %dma_wait3A, %dma_wait3A_39] : memref<32x278x36xi32, #tpu.memory_space<hbm>> -> memref<1x278x36xi32, #tpu.memory_space<hbm>>
      %dma_wait3A_41 = tpu.memref_squeeze %dma_wait3A_40 : memref<1x278x36xi32, #tpu.memory_space<hbm>> -> memref<278x36xi32, #tpu.memory_space<hbm>>
      %dma_wait3A_42 = arith.constant 0 : i32
      %dma_wait3A_43 = arith.constant 0 : i32
      %dma_wait3A_44 = tpu.memref_slice %arg3[%add3A, %dma_wait3A_42, %dma_wait3A_43] : memref<32x278x36xi32, #tpu.memory_space<hbm>> -> memref<1x278x36xi32, #tpu.memory_space<hbm>>
      %dma_wait3A_45 = tpu.memref_squeeze %dma_wait3A_44 : memref<1x278x36xi32, #tpu.memory_space<hbm>> -> memref<278x36xi32, #tpu.memory_space<hbm>>
      tpu.wait_dma2 semaphore(%run_scoped3A : memref<!tpu.dma_semaphore, #tpu.memory_space<semaphore_mem>>) src(%dma_wait3A_45 : memref<278x36xi32, #tpu.memory_space<hbm>>) dst(%arg7 : memref<278x36xi32, #tpu.memory_space<vmem>>)
      tpu.yield
    }) : () -> ()
    %mul3A_1 = arith.constant 632 : i32
    %mul3A_2 = arith.muli %arg1, %mul3A_1 : i32
    "tpu.region"() ({
      %run_scoped3A = tpu.sem_alloc : memref<!tpu.dma_semaphore, #tpu.memory_space<semaphore_mem>>
      %dma_start3A_31 = arith.constant 0 : i32
      %dma_start3A_32 = tpu.memref_slice %arg12[%mul3A_2, %dma_start3A_31] : memref<10112x128xf32, #tpu.memory_space<vmem_shared>> -> memref<632x128xf32, #tpu.memory_space<vmem_shared>>
      tpu.enqueue_dma source(%arg5 : memref<632x128xf32, #tpu.memory_space<hbm>>) target(%dma_start3A_32 : memref<632x128xf32, #tpu.memory_space<vmem_shared>>) target_semaphore(%run_scoped3A : memref<!tpu.dma_semaphore, #tpu.memory_space<semaphore_mem>>)
      %dma_wait3A = arith.constant 0 : i32
      %dma_wait3A_33 = tpu.memref_slice %arg12[%mul3A_2, %dma_wait3A] : memref<10112x128xf32, #tpu.memory_space<vmem_shared>> -> memref<632x128xf32, #tpu.memory_space<vmem_shared>>
      tpu.wait_dma2 semaphore(%run_scoped3A : memref<!tpu.dma_semaphore, #tpu.memory_space<semaphore_mem>>) src(%arg5 : memref<632x128xf32, #tpu.memory_space<hbm>>) dst(%dma_wait3A_33 : memref<632x128xf32, #tpu.memory_space<vmem_shared>>)
      tpu.yield
    }) : () -> ()
    %barrier3A = arith.constant 0 : index
    tpu.barrier barrier_id(%barrier3A)
    %dma_start3A = arith.constant 0 : i32
    %dma_start3A_3 = arith.constant 0 : i32
    %dma_start3A_4 = tpu.memref_slice %arg7[%dma_start3A, %dma_start3A_3] : memref<278x36xi32, #tpu.memory_space<vmem>> -> memref<1x36xi32, #tpu.memory_space<vmem>>
    %dma_start3A_5 = tpu.memref_squeeze %dma_start3A_4 : memref<1x36xi32, #tpu.memory_space<vmem>> -> memref<36xi32, #tpu.memory_space<vmem>>
    %dma_start3A_6 = arith.constant 0 : i32
    %dma_start3A_7 = arith.constant 0 : i32
    %dma_start3A_8 = tpu.memref_slice %arg2[%dma_start3A_6, %dma_start3A_7] : memref<10000x128xf32, #tpu.memory_space<hbm>> -> memref<10000x128xf32, #tpu.memory_space<hbm>>
    tpu.enqueue_indirect_dma source(%dma_start3A_8 : memref<10000x128xf32, #tpu.memory_space<hbm>>) target(%arg10 : memref<36x128xf32, #tpu.memory_space<vmem>>) offsets(%dma_start3A_5 : memref<36xi32, #tpu.memory_space<vmem>>) semaphore(%arg13 : memref<!tpu.dma_semaphore, #tpu.memory_space<semaphore_mem>>)
    %dma_start3A_9 = arith.constant 0 : i32
    %dma_start3A_10 = arith.constant 0 : i32
    %dma_start3A_11 = tpu.memref_slice %arg4[%add3A, %dma_start3A_9, %dma_start3A_10] : memref<32x278x36xi32, #tpu.memory_space<hbm>> -> memref<1x1x36xi32, #tpu.memory_space<hbm>>
    %dma_start3A_12 = tpu.memref_squeeze %dma_start3A_11 : memref<1x1x36xi32, #tpu.memory_space<hbm>> -> memref<36xi32, #tpu.memory_space<hbm>>
    %dma_start3A_13 = arith.constant 0 : i32
    %dma_start3A_14 = tpu.memref_slice %arg4[%add3A, %dma_start3A_9, %dma_start3A_13] : memref<32x278x36xi32, #tpu.memory_space<hbm>> -> memref<1x1x36xi32, #tpu.memory_space<hbm>>
    %dma_start3A_15 = tpu.memref_squeeze %dma_start3A_14 : memref<1x1x36xi32, #tpu.memory_space<hbm>> -> memref<36xi32, #tpu.memory_space<hbm>>
    tpu.enqueue_dma source(%dma_start3A_15 : memref<36xi32, #tpu.memory_space<hbm>>) target(%arg8 : memref<36xi32, #tpu.memory_space<vmem>>) target_semaphore(%arg15 : memref<!tpu.dma_semaphore, #tpu.memory_space<semaphore_mem>>)
    %scan3A = arith.constant 0 : i32
    %scan3A_16 = arith.constant 0 : i32
    %scan3A_17 = arith.constant 139 : i32
    %scan3A_18 = arith.addi %scan3A_16, %scan3A_17 : i32
    %scan3A_19 = arith.constant 1 : i32
    scf.for %scan3A_31 = %scan3A_16 to %scan3A_18 step %scan3A_19  : i32 {
      %mul3A_32 = arith.constant 2 : i32
      %mul3A_33 = arith.muli %mul3A_32, %scan3A_31 : i32
      %add3A_34 = arith.constant 1 : i32
      %add3A_35 = arith.addi %mul3A_33, %add3A_34 : i32
      %dma_start3A_36 = arith.constant 0 : i32
      %dma_start3A_37 = tpu.memref_slice %arg7[%add3A_35, %dma_start3A_36] : memref<278x36xi32, #tpu.memory_space<vmem>> -> memref<1x36xi32, #tpu.memory_space<vmem>>
      %dma_start3A_38 = tpu.memref_squeeze %dma_start3A_37 : memref<1x36xi32, #tpu.memory_space<vmem>> -> memref<36xi32, #tpu.memory_space<vmem>>
      %dma_start3A_39 = arith.constant 0 : i32
      %dma_start3A_40 = arith.constant 0 : i32
      %dma_start3A_41 = tpu.memref_slice %arg2[%dma_start3A_39, %dma_start3A_40] : memref<10000x128xf32, #tpu.memory_space<hbm>> -> memref<10000x128xf32, #tpu.memory_space<hbm>>
      tpu.enqueue_indirect_dma source(%dma_start3A_41 : memref<10000x128xf32, #tpu.memory_space<hbm>>) target(%arg11 : memref<36x128xf32, #tpu.memory_space<vmem>>) offsets(%dma_start3A_38 : memref<36xi32, #tpu.memory_space<vmem>>) semaphore(%arg14 : memref<!tpu.dma_semaphore, #tpu.memory_space<semaphore_mem>>)
      %add3A_42 = arith.constant 1 : i32
      %add3A_43 = arith.addi %mul3A_33, %add3A_42 : i32
      %dma_start3A_44 = arith.constant 0 : i32
      %dma_start3A_45 = tpu.memref_slice %arg4[%add3A, %add3A_43, %dma_start3A_44] : memref<32x278x36xi32, #tpu.memory_space<hbm>> -> memref<1x1x36xi32, #tpu.memory_space<hbm>>
      %dma_start3A_46 = tpu.memref_squeeze %dma_start3A_45 : memref<1x1x36xi32, #tpu.memory_space<hbm>> -> memref<36xi32, #tpu.memory_space<hbm>>
      %dma_start3A_47 = arith.constant 0 : i32
      %dma_start3A_48 = tpu.memref_slice %arg4[%add3A, %add3A_43, %dma_start3A_47] : memref<32x278x36xi32, #tpu.memory_space<hbm>> -> memref<1x1x36xi32, #tpu.memory_space<hbm>>
      %dma_start3A_49 = tpu.memref_squeeze %dma_start3A_48 : memref<1x1x36xi32, #tpu.memory_space<hbm>> -> memref<36xi32, #tpu.memory_space<hbm>>
      tpu.enqueue_dma source(%dma_start3A_49 : memref<36xi32, #tpu.memory_space<hbm>>) target(%arg9 : memref<36xi32, #tpu.memory_space<vmem>>) target_semaphore(%arg16 : memref<!tpu.dma_semaphore, #tpu.memory_space<semaphore_mem>>)
      %dma_wait3A = arith.constant 0 : i32
      %dma_wait3A_50 = tpu.memref_slice %arg7[%mul3A_33, %dma_wait3A] : memref<278x36xi32, #tpu.memory_space<vmem>> -> memref<1x36xi32, #tpu.memory_space<vmem>>
      %dma_wait3A_51 = tpu.memref_squeeze %dma_wait3A_50 : memref<1x36xi32, #tpu.memory_space<vmem>> -> memref<36xi32, #tpu.memory_space<vmem>>
      %dma_wait3A_52 = arith.constant 0 : i32
      %dma_wait3A_53 = arith.constant 0 : i32
      %dma_wait3A_54 = tpu.memref_slice %arg2[%dma_wait3A_52, %dma_wait3A_53] : memref<10000x128xf32, #tpu.memory_space<hbm>> -> memref<10000x128xf32, #tpu.memory_space<hbm>>
      tpu.wait_indirect_dma semaphore(%arg13 : memref<!tpu.dma_semaphore, #tpu.memory_space<semaphore_mem>>) src(%dma_wait3A_54 : memref<10000x128xf32, #tpu.memory_space<hbm>>) dst(%arg10 : memref<36x128xf32, #tpu.memory_space<vmem>>)
      %dma_wait3A_55 = arith.constant 0 : i32
      %dma_wait3A_56 = tpu.memref_slice %arg4[%add3A, %mul3A_33, %dma_wait3A_55] : memref<32x278x36xi32, #tpu.memory_space<hbm>> -> memref<1x1x36xi32, #tpu.memory_space<hbm>>
      %dma_wait3A_57 = tpu.memref_squeeze %dma_wait3A_56 : memref<1x1x36xi32, #tpu.memory_space<hbm>> -> memref<36xi32, #tpu.memory_space<hbm>>
      %dma_wait3A_58 = arith.constant 0 : i32
      %dma_wait3A_59 = tpu.memref_slice %arg4[%add3A, %mul3A_33, %dma_wait3A_58] : memref<32x278x36xi32, #tpu.memory_space<hbm>> -> memref<1x1x36xi32, #tpu.memory_space<hbm>>
      %dma_wait3A_60 = tpu.memref_squeeze %dma_wait3A_59 : memref<1x1x36xi32, #tpu.memory_space<hbm>> -> memref<36xi32, #tpu.memory_space<hbm>>
      tpu.wait_dma2 semaphore(%arg15 : memref<!tpu.dma_semaphore, #tpu.memory_space<semaphore_mem>>) src(%dma_wait3A_60 : memref<36xi32, #tpu.memory_space<hbm>>) dst(%arg8 : memref<36xi32, #tpu.memory_space<vmem>>)
      "tpu.region"() ({
        %run_scoped3A = tpu.sem_alloc : memref<!tpu.dma_semaphore, #tpu.memory_space<semaphore_mem>>
        %dma_start3A_83 = arith.constant 0 : i32
        %dma_start3A_84 = arith.constant 0 : i32
        %dma_start3A_85 = tpu.memref_slice %arg12[%dma_start3A_83, %dma_start3A_84] : memref<10112x128xf32, #tpu.memory_space<vmem_shared>> -> memref<10112x128xf32, #tpu.memory_space<vmem_shared>>
        tpu.enqueue_indirect_dma source(%arg10 : memref<36x128xf32, #tpu.memory_space<vmem>>) target(%dma_start3A_85 : memref<10112x128xf32, #tpu.memory_space<vmem_shared>>) offsets(%arg8 : memref<36xi32, #tpu.memory_space<vmem>>) semaphore(%run_scoped3A : memref<!tpu.dma_semaphore, #tpu.memory_space<semaphore_mem>>) {add = true}
        %dma_wait3A_86 = arith.constant 0 : i32
        %dma_wait3A_87 = arith.constant 0 : i32
        %dma_wait3A_88 = tpu.memref_slice %arg12[%dma_wait3A_86, %dma_wait3A_87] : memref<10112x128xf32, #tpu.memory_space<vmem_shared>> -> memref<10112x128xf32, #tpu.memory_space<vmem_shared>>
        tpu.wait_indirect_dma semaphore(%run_scoped3A : memref<!tpu.dma_semaphore, #tpu.memory_space<semaphore_mem>>) src(%arg10 : memref<36x128xf32, #tpu.memory_space<vmem>>) dst(%dma_wait3A_88 : memref<10112x128xf32, #tpu.memory_space<vmem_shared>>)
        tpu.yield
      }) : () -> ()
      %add3A_61 = arith.constant 2 : i32
      %add3A_62 = arith.addi %mul3A_33, %add3A_61 : i32
      %lt3A = arith.constant 278 : i32
      %lt3A_63 = arith.cmpi slt, %add3A_62, %lt3A : i32
      %convert_element_type3A_64 = arith.extui %lt3A_63 : i1 to i32
      %cond3A_65 = arith.constant 0 : i32
      %cond3A_66 = arith.cmpi ne, %convert_element_type3A_64, %cond3A_65 : i32
      scf.if %cond3A_66 {
        %add3A_83 = arith.constant 2 : i32
        %add3A_84 = arith.addi %mul3A_33, %add3A_83 : i32
        %dma_start3A_85 = arith.constant 0 : i32
        %dma_start3A_86 = tpu.memref_slice %arg7[%add3A_84, %dma_start3A_85] : memref<278x36xi32, #tpu.memory_space<vmem>> -> memref<1x36xi32, #tpu.memory_space<vmem>>
        %dma_start3A_87 = tpu.memref_squeeze %dma_start3A_86 : memref<1x36xi32, #tpu.memory_space<vmem>> -> memref<36xi32, #tpu.memory_space<vmem>>
        %dma_start3A_88 = arith.constant 0 : i32
        %dma_start3A_89 = arith.constant 0 : i32
        %dma_start3A_90 = tpu.memref_slice %arg2[%dma_start3A_88, %dma_start3A_89] : memref<10000x128xf32, #tpu.memory_space<hbm>> -> memref<10000x128xf32, #tpu.memory_space<hbm>>
        tpu.enqueue_indirect_dma source(%dma_start3A_90 : memref<10000x128xf32, #tpu.memory_space<hbm>>) target(%arg10 : memref<36x128xf32, #tpu.memory_space<vmem>>) offsets(%dma_start3A_87 : memref<36xi32, #tpu.memory_space<vmem>>) semaphore(%arg13 : memref<!tpu.dma_semaphore, #tpu.memory_space<semaphore_mem>>)
        %add3A_91 = arith.constant 2 : i32
        %add3A_92 = arith.addi %mul3A_33, %add3A_91 : i32
        %dma_start3A_93 = arith.constant 0 : i32
        %dma_start3A_94 = tpu.memref_slice %arg4[%add3A, %add3A_92, %dma_start3A_93] : memref<32x278x36xi32, #tpu.memory_space<hbm>> -> memref<1x1x36xi32, #tpu.memory_space<hbm>>
        %dma_start3A_95 = tpu.memref_squeeze %dma_start3A_94 : memref<1x1x36xi32, #tpu.memory_space<hbm>> -> memref<36xi32, #tpu.memory_space<hbm>>
        %dma_start3A_96 = arith.constant 0 : i32
        %dma_start3A_97 = tpu.memref_slice %arg4[%add3A, %add3A_92, %dma_start3A_96] : memref<32x278x36xi32, #tpu.memory_space<hbm>> -> memref<1x1x36xi32, #tpu.memory_space<hbm>>
        %dma_start3A_98 = tpu.memref_squeeze %dma_start3A_97 : memref<1x1x36xi32, #tpu.memory_space<hbm>> -> memref<36xi32, #tpu.memory_space<hbm>>
        tpu.enqueue_dma source(%dma_start3A_98 : memref<36xi32, #tpu.memory_space<hbm>>) target(%arg8 : memref<36xi32, #tpu.memory_space<vmem>>) target_semaphore(%arg15 : memref<!tpu.dma_semaphore, #tpu.memory_space<semaphore_mem>>)
      } else {
      }
      %add3A_67 = arith.constant 1 : i32
      %add3A_68 = arith.addi %mul3A_33, %add3A_67 : i32
      %dma_wait3A_69 = arith.constant 0 : i32
      %dma_wait3A_70 = tpu.memref_slice %arg7[%add3A_68, %dma_wait3A_69] : memref<278x36xi32, #tpu.memory_space<vmem>> -> memref<1x36xi32, #tpu.memory_space<vmem>>
      %dma_wait3A_71 = tpu.memref_squeeze %dma_wait3A_70 : memref<1x36xi32, #tpu.memory_space<vmem>> -> memref<36xi32, #tpu.memory_space<vmem>>
      %dma_wait3A_72 = arith.constant 0 : i32
      %dma_wait3A_73 = arith.constant 0 : i32
      %dma_wait3A_74 = tpu.memref_slice %arg2[%dma_wait3A_72, %dma_wait3A_73] : memref<10000x128xf32, #tpu.memory_space<hbm>> -> memref<10000x128xf32, #tpu.memory_space<hbm>>
      tpu.wait_indirect_dma semaphore(%arg14 : memref<!tpu.dma_semaphore, #tpu.memory_space<semaphore_mem>>) src(%dma_wait3A_74 : memref<10000x128xf32, #tpu.memory_space<hbm>>) dst(%arg11 : memref<36x128xf32, #tpu.memory_space<vmem>>)
      %add3A_75 = arith.constant 1 : i32
      %add3A_76 = arith.addi %mul3A_33, %add3A_75 : i32
      %dma_wait3A_77 = arith.constant 0 : i32
      %dma_wait3A_78 = tpu.memref_slice %arg4[%add3A, %add3A_76, %dma_wait3A_77] : memref<32x278x36xi32, #tpu.memory_space<hbm>> -> memref<1x1x36xi32, #tpu.memory_space<hbm>>
      %dma_wait3A_79 = tpu.memref_squeeze %dma_wait3A_78 : memref<1x1x36xi32, #tpu.memory_space<hbm>> -> memref<36xi32, #tpu.memory_space<hbm>>
      %dma_wait3A_80 = arith.constant 0 : i32
      %dma_wait3A_81 = tpu.memref_slice %arg4[%add3A, %add3A_76, %dma_wait3A_80] : memref<32x278x36xi32, #tpu.memory_space<hbm>> -> memref<1x1x36xi32, #tpu.memory_space<hbm>>
      %dma_wait3A_82 = tpu.memref_squeeze %dma_wait3A_81 : memref<1x1x36xi32, #tpu.memory_space<hbm>> -> memref<36xi32, #tpu.memory_space<hbm>>
      tpu.wait_dma2 semaphore(%arg16 : memref<!tpu.dma_semaphore, #tpu.memory_space<semaphore_mem>>) src(%dma_wait3A_82 : memref<36xi32, #tpu.memory_space<hbm>>) dst(%arg9 : memref<36xi32, #tpu.memory_space<vmem>>)
      "tpu.region"() ({
        %run_scoped3A = tpu.sem_alloc : memref<!tpu.dma_semaphore, #tpu.memory_space<semaphore_mem>>
        %dma_start3A_83 = arith.constant 0 : i32
        %dma_start3A_84 = arith.constant 0 : i32
        %dma_start3A_85 = tpu.memref_slice %arg12[%dma_start3A_83, %dma_start3A_84] : memref<10112x128xf32, #tpu.memory_space<vmem_shared>> -> memref<10112x128xf32, #tpu.memory_space<vmem_shared>>
        tpu.enqueue_indirect_dma source(%arg11 : memref<36x128xf32, #tpu.memory_space<vmem>>) target(%dma_start3A_85 : memref<10112x128xf32, #tpu.memory_space<vmem_shared>>) offsets(%arg9 : memref<36xi32, #tpu.memory_space<vmem>>) semaphore(%run_scoped3A : memref<!tpu.dma_semaphore, #tpu.memory_space<semaphore_mem>>) {add = true}
        %dma_wait3A_86 = arith.constant 0 : i32
        %dma_wait3A_87 = arith.constant 0 : i32
        %dma_wait3A_88 = tpu.memref_slice %arg12[%dma_wait3A_86, %dma_wait3A_87] : memref<10112x128xf32, #tpu.memory_space<vmem_shared>> -> memref<10112x128xf32, #tpu.memory_space<vmem_shared>>
        tpu.wait_indirect_dma semaphore(%run_scoped3A : memref<!tpu.dma_semaphore, #tpu.memory_space<semaphore_mem>>) src(%arg11 : memref<36x128xf32, #tpu.memory_space<vmem>>) dst(%dma_wait3A_88 : memref<10112x128xf32, #tpu.memory_space<vmem_shared>>)
        tpu.yield
      }) : () -> ()
    }
    %scan3A_20 = arith.constant 139 : i32
    %barrier3A_21 = arith.constant 0 : index
    tpu.barrier barrier_id(%barrier3A_21)
    %mul3A_22 = arith.constant 624 : i32
    %mul3A_23 = arith.muli %arg1, %mul3A_22 : i32
    %mul3A_24 = arith.constant 10000 : i32
    %mul3A_25 = arith.muli %arg0, %mul3A_24 : i32
    %mul3A_26 = arith.constant 624 : i32
    %mul3A_27 = arith.muli %arg1, %mul3A_26 : i32
    %add3A_28 = arith.addi %mul3A_25, %mul3A_27 : i32
    "tpu.region"() ({
      %run_scoped3A = tpu.sem_alloc : memref<!tpu.dma_semaphore, #tpu.memory_space<semaphore_mem>>
      %dma_start3A_31 = arith.constant 0 : i32
      %dma_start3A_32 = tpu.memref_slice %arg6[%add3A_28, %dma_start3A_31] : memref<20000x128xf32, #tpu.memory_space<hbm>> -> memref<624x128xf32, #tpu.memory_space<hbm>>
      %dma_start3A_33 = arith.constant 0 : i32
      %dma_start3A_34 = tpu.memref_slice %arg12[%mul3A_23, %dma_start3A_33] : memref<10112x128xf32, #tpu.memory_space<vmem_shared>> -> memref<624x128xf32, #tpu.memory_space<vmem_shared>>
      tpu.enqueue_dma source(%dma_start3A_34 : memref<624x128xf32, #tpu.memory_space<vmem_shared>>) target(%dma_start3A_32 : memref<624x128xf32, #tpu.memory_space<hbm>>) target_semaphore(%run_scoped3A : memref<!tpu.dma_semaphore, #tpu.memory_space<semaphore_mem>>)
      %dma_wait3A = arith.constant 0 : i32
      %dma_wait3A_35 = tpu.memref_slice %arg6[%add3A_28, %dma_wait3A] : memref<20000x128xf32, #tpu.memory_space<hbm>> -> memref<624x128xf32, #tpu.memory_space<hbm>>
      %dma_wait3A_36 = arith.constant 0 : i32
      %dma_wait3A_37 = tpu.memref_slice %arg12[%mul3A_23, %dma_wait3A_36] : memref<10112x128xf32, #tpu.memory_space<vmem_shared>> -> memref<624x128xf32, #tpu.memory_space<vmem_shared>>
      tpu.wait_dma2 semaphore(%run_scoped3A : memref<!tpu.dma_semaphore, #tpu.memory_space<semaphore_mem>>) src(%dma_wait3A_37 : memref<624x128xf32, #tpu.memory_space<vmem_shared>>) dst(%dma_wait3A_35 : memref<624x128xf32, #tpu.memory_space<hbm>>)
      tpu.yield
    }) : () -> ()
    %eq3A = arith.constant 0 : i32
    %eq3A_29 = arith.cmpi eq, %arg1, %eq3A : i32
    %convert_element_type3A = arith.extui %eq3A_29 : i1 to i32
    %cond3A = arith.constant 0 : i32
    %cond3A_30 = arith.cmpi ne, %convert_element_type3A, %cond3A : i32
    scf.if %cond3A_30 {
      %mul3A_31 = arith.constant 10000 : i32
      %mul3A_32 = arith.muli %arg0, %mul3A_31 : i32
      %add3A_33 = arith.constant 9984 : i32
      %add3A_34 = arith.addi %mul3A_32, %add3A_33 : i32
      "tpu.region"() ({
        %run_scoped3A = tpu.sem_alloc : memref<!tpu.dma_semaphore, #tpu.memory_space<semaphore_mem>>
        %dma_start3A_35 = arith.constant 0 : i32
        %dma_start3A_36 = tpu.memref_slice %arg6[%add3A_34, %dma_start3A_35] : memref<20000x128xf32, #tpu.memory_space<hbm>> -> memref<16x128xf32, #tpu.memory_space<hbm>>
        %dma_start3A_37 = arith.constant 9984 : i32
        %dma_start3A_38 = arith.constant 0 : i32
        %dma_start3A_39 = tpu.memref_slice %arg12[%dma_start3A_37, %dma_start3A_38] : memref<10112x128xf32, #tpu.memory_space<vmem_shared>> -> memref<16x128xf32, #tpu.memory_space<vmem_shared>>
        tpu.enqueue_dma source(%dma_start3A_39 : memref<16x128xf32, #tpu.memory_space<vmem_shared>>) target(%dma_start3A_36 : memref<16x128xf32, #tpu.memory_space<hbm>>) target_semaphore(%run_scoped3A : memref<!tpu.dma_semaphore, #tpu.memory_space<semaphore_mem>>)
        %dma_wait3A = arith.constant 0 : i32
        %dma_wait3A_40 = tpu.memref_slice %arg6[%add3A_34, %dma_wait3A] : memref<20000x128xf32, #tpu.memory_space<hbm>> -> memref<16x128xf32, #tpu.memory_space<hbm>>
        %dma_wait3A_41 = arith.constant 9984 : i32
        %dma_wait3A_42 = arith.constant 0 : i32
        %dma_wait3A_43 = tpu.memref_slice %arg12[%dma_wait3A_41, %dma_wait3A_42] : memref<10112x128xf32, #tpu.memory_space<vmem_shared>> -> memref<16x128xf32, #tpu.memory_space<vmem_shared>>
        tpu.wait_dma2 semaphore(%run_scoped3A : memref<!tpu.dma_semaphore, #tpu.memory_space<semaphore_mem>>) src(%dma_wait3A_43 : memref<16x128xf32, #tpu.memory_space<vmem_shared>>) dst(%dma_wait3A_40 : memref<16x128xf32, #tpu.memory_space<hbm>>)
        tpu.yield
      }) : () -> ()
    } else {
    }
    return
  }
}

module attributes {stable_mosaic.version = 14 : i64} {
  func.func @_dense_body(%arg0: i32, %arg1: i32, %arg2: memref<2000x128xf32, #tpu.memory_space<vmem>>, %arg3: memref<2000x128xf32, #tpu.memory_space<vmem>>, %arg4: memref<2000x128xf32, #tpu.memory_space<vmem>>, %arg5: memref<128x128xf32, #tpu.memory_space<vmem>>, %arg6: memref<1x128xf32, #tpu.memory_space<vmem>>, %arg7: memref<1x128xf32, #tpu.memory_space<vmem>>, %arg8: memref<1x128xf32, #tpu.memory_space<vmem>>, %arg9: memref<128x128xf32, #tpu.memory_space<vmem>>, %arg10: memref<1x128xf32, #tpu.memory_space<vmem>>, %arg11: memref<1x128xf32, #tpu.memory_space<vmem>>, %arg12: memref<1x128xf32, #tpu.memory_space<vmem>>, %arg13: memref<2000x128xf32, #tpu.memory_space<vmem>>, %arg14: memref<10000x128xf32, #tpu.memory_space<vmem>>, %arg15: memref<10000x128xf32, #tpu.memory_space<vmem>>, %arg16: memref<8x128xf32, #tpu.memory_space<vmem>>) attributes {dimension_semantics = [#tpu.dimension_semantics<arbitrary>, #tpu.dimension_semantics<arbitrary>], iteration_bounds = array<i64: 3, 5>, scalar_prefetch = 0 : i64, scratch_operands = 3 : i64, tpu.core_type = #tpu.core_type<tc>, window_params = [{transform_indices = @transform_0, window_bounds = array<i64: 2000, 128>}, {transform_indices = @transform_1, window_bounds = array<i64: 2000, 128>}, {transform_indices = @transform_2, window_bounds = array<i64: 2000, 128>}, {pipeline_mode = #tpu.pipeline_mode<synchronous>, transform_indices = @transform_3, window_bounds = array<i64: 128, 128>}, {pipeline_mode = #tpu.pipeline_mode<synchronous>, transform_indices = @transform_4, window_bounds = array<i64: 1, 128>}, {pipeline_mode = #tpu.pipeline_mode<synchronous>, transform_indices = @transform_5, window_bounds = array<i64: 1, 128>}, {pipeline_mode = #tpu.pipeline_mode<synchronous>, transform_indices = @transform_6, window_bounds = array<i64: 1, 128>}, {pipeline_mode = #tpu.pipeline_mode<synchronous>, transform_indices = @transform_7, window_bounds = array<i64: 128, 128>}, {pipeline_mode = #tpu.pipeline_mode<synchronous>, transform_indices = @transform_8, window_bounds = array<i64: 1, 128>}, {pipeline_mode = #tpu.pipeline_mode<synchronous>, transform_indices = @transform_9, window_bounds = array<i64: 1, 128>}, {pipeline_mode = #tpu.pipeline_mode<synchronous>, transform_indices = @transform_10, window_bounds = array<i64: 1, 128>}, {transform_indices = @transform_11, window_bounds = array<i64: 2000, 128>}]} {
    %mul3A = arith.constant 2000 : i32
    %mul3A_0 = arith.muli %arg1, %mul3A : i32
    %eq3A = arith.constant 0 : i32
    %eq3A_1 = arith.cmpi eq, %arg0, %eq3A : i32
    %eq3A_2 = arith.constant 0 : i32
    %eq3A_3 = arith.cmpi eq, %arg1, %eq3A_2 : i32
    %and3A = arith.andi %eq3A_1, %eq3A_3 : i1
    %convert_element_type3A = arith.extui %and3A : i1 to i32
    %cond3A = arith.constant 0 : i32
    %cond3A_4 = arith.cmpi ne, %convert_element_type3A, %cond3A : i32
    scf.if %cond3A_4 {
      %broadcast_in_dim3A = arith.constant 0.000000e+00 : f32
      %broadcast_in_dim3A_20 = vector.broadcast %broadcast_in_dim3A : f32 to vector<8x128xf32>
      %swap3A = arith.constant 0 : index
      %swap3A_21 = arith.constant 0 : index
      %swap3A_22 = vector.load %arg16[%swap3A, %swap3A_21] : memref<8x128xf32, #tpu.memory_space<vmem>>, vector<8x128xf32>
      tpu.vector_store %arg16[%swap3A, %swap3A_21], %broadcast_in_dim3A_20 {strides = array<i32>} : memref<8x128xf32, #tpu.memory_space<vmem>>, vector<8x128xf32>,
    } else {
    }
    %eq3A_5 = arith.constant 0 : i32
    %eq3A_6 = arith.cmpi eq, %arg0, %eq3A_5 : i32
    %convert_element_type3A_7 = arith.extui %eq3A_6 : i1 to i32
    %cond3A_8 = arith.constant 0 : i32
    %cond3A_9 = arith.cmpi ne, %convert_element_type3A_7, %cond3A_8 : i32
    scf.if %cond3A_9 {
      %get3A = arith.constant 0 : index
      %get3A_20 = arith.constant 0 : index
      %get3A_21 = vector.load %arg2[%get3A, %get3A_20] : memref<2000x128xf32, #tpu.memory_space<vmem>>, vector<2000x128xf32>
      %get3A_22 = arith.constant 0 : index
      %get3A_23 = arith.constant 0 : index
      %get3A_24 = vector.load %arg3[%get3A_22, %get3A_23] : memref<2000x128xf32, #tpu.memory_space<vmem>>, vector<2000x128xf32>
      %add3A = arith.addf %get3A_21, %get3A_24 : vector<2000x128xf32>
      %get3A_25 = arith.constant 0 : index
      %get3A_26 = arith.constant 0 : index
      %get3A_27 = vector.load %arg4[%get3A_25, %get3A_26] : memref<2000x128xf32, #tpu.memory_space<vmem>>, vector<2000x128xf32>
      %add3A_28 = arith.addf %add3A, %get3A_27 : vector<2000x128xf32>
      %get3A_29 = arith.constant 0 : index
      %get3A_30 = arith.constant 0 : index
      %get3A_31 = vector.load %arg5[%get3A_29, %get3A_30] : memref<128x128xf32, #tpu.memory_space<vmem>>, vector<128x128xf32>
      %dot_general3A = arith.constant dense<0.000000e+00> : vector<2000x128xf32>
      %dot_general3A_32 = tpu.matmul %add3A_28, %get3A_31, %dot_general3A {dimension_numbers = #tpu.dot_dimension_numbers<[1], [1], [0], [0], [0, 0, 1, 0], [], []>, transpose_lhs_hint = false} : vector<2000x128xf32>, vector<128x128xf32>, vector<2000x128xf32> -> vector<2000x128xf32>
      %get3A_33 = arith.constant 0 : index
      %get3A_34 = arith.constant 0 : index
      %get3A_35 = vector.load %arg6[%get3A_33, %get3A_34] : memref<1x128xf32, #tpu.memory_space<vmem>>, vector<1x128xf32>
      %add3A_36 = vector.broadcast %get3A_35 : vector<1x128xf32> to vector<2000x128xf32>
      %add3A_37 = arith.addf %dot_general3A_32, %add3A_36 : vector<2000x128xf32>
      %swap3A = arith.index_cast %mul3A_0 : i32 to index
      %swap3A_38 = arith.constant 0 : index
      %swap3A_39 = vector.load %arg14[%swap3A, %swap3A_38] : memref<10000x128xf32, #tpu.memory_space<vmem>>, vector<2000x128xf32>
      tpu.vector_store %arg14[%swap3A, %swap3A_38], %add3A_37 {strides = array<i32>} : memref<10000x128xf32, #tpu.memory_space<vmem>>, vector<2000x128xf32>,
      %get3A_40 = arith.constant 0 : index
      %get3A_41 = arith.constant 0 : index
      %get3A_42 = vector.load %arg16[%get3A_40, %get3A_41] : memref<8x128xf32, #tpu.memory_space<vmem>>, vector<1x128xf32>
      %reduce_sum3A = arith.constant dense<0.000000e+00> : vector<128xf32>
      %reduce_sum3A_43 = vector.multi_reduction <add>, %add3A_37, %reduce_sum3A [0] : vector<2000x128xf32> to vector<128xf32>
      %broadcast_in_dim3A = vector.shape_cast %reduce_sum3A_43 : vector<128xf32> to vector<1x128xf32>
      %add3A_44 = arith.addf %get3A_42, %broadcast_in_dim3A : vector<1x128xf32>
      %swap3A_45 = arith.constant 0 : index
      %swap3A_46 = arith.constant 0 : index
      %swap3A_47 = vector.load %arg16[%swap3A_45, %swap3A_46] : memref<8x128xf32, #tpu.memory_space<vmem>>, vector<1x128xf32>
      tpu.vector_store %arg16[%swap3A_45, %swap3A_46], %add3A_44 {strides = array<i32>} : memref<8x128xf32, #tpu.memory_space<vmem>>, vector<1x128xf32>,
      %get3A_48 = arith.constant 1 : index
      %get3A_49 = arith.constant 0 : index
      %get3A_50 = vector.load %arg16[%get3A_48, %get3A_49] : memref<8x128xf32, #tpu.memory_space<vmem>>, vector<1x128xf32>
      %mul3A_51 = arith.mulf %add3A_37, %add3A_37 : vector<2000x128xf32>
      %reduce_sum3A_52 = arith.constant dense<0.000000e+00> : vector<128xf32>
      %reduce_sum3A_53 = vector.multi_reduction <add>, %mul3A_51, %reduce_sum3A_52 [0] : vector<2000x128xf32> to vector<128xf32>
      %broadcast_in_dim3A_54 = vector.shape_cast %reduce_sum3A_53 : vector<128xf32> to vector<1x128xf32>
      %add3A_55 = arith.addf %get3A_50, %broadcast_in_dim3A_54 : vector<1x128xf32>
      %swap3A_56 = arith.constant 1 : index
      %swap3A_57 = arith.constant 0 : index
      %swap3A_58 = vector.load %arg16[%swap3A_56, %swap3A_57] : memref<8x128xf32, #tpu.memory_space<vmem>>, vector<1x128xf32>
      tpu.vector_store %arg16[%swap3A_56, %swap3A_57], %add3A_55 {strides = array<i32>} : memref<8x128xf32, #tpu.memory_space<vmem>>, vector<1x128xf32>,
    } else {
    }
    %eq3A_10 = arith.constant 1 : i32
    %eq3A_11 = arith.cmpi eq, %arg0, %eq3A_10 : i32
    %convert_element_type3A_12 = arith.extui %eq3A_11 : i1 to i32
    %cond3A_13 = arith.constant 0 : i32
    %cond3A_14 = arith.cmpi ne, %convert_element_type3A_12, %cond3A_13 : i32
    scf.if %cond3A_14 {
      %get3A = arith.index_cast %mul3A_0 : i32 to index
      %get3A_20 = arith.constant 0 : index
      %get3A_21 = vector.load %arg14[%get3A, %get3A_20] : memref<10000x128xf32, #tpu.memory_space<vmem>>, vector<2000x128xf32>
      %get3A_22 = arith.constant 0 : index
      %get3A_23 = arith.constant 0 : index
      %get3A_24 = vector.load %arg16[%get3A_22, %get3A_23] : memref<8x128xf32, #tpu.memory_space<vmem>>, vector<1x128xf32>
      %mul3A_25 = arith.constant 9.99999974E-5 : f32
      %mul3A_26 = vector.broadcast %mul3A_25 : f32 to vector<1x128xf32>
      %mul3A_27 = arith.mulf %get3A_24, %mul3A_26 : vector<1x128xf32>
      %get3A_28 = arith.constant 1 : index
      %get3A_29 = arith.constant 0 : index
      %get3A_30 = vector.load %arg16[%get3A_28, %get3A_29] : memref<8x128xf32, #tpu.memory_space<vmem>>, vector<1x128xf32>
      %mul3A_31 = arith.constant 9.99999974E-5 : f32
      %mul3A_32 = vector.broadcast %mul3A_31 : f32 to vector<1x128xf32>
      %mul3A_33 = arith.mulf %get3A_30, %mul3A_32 : vector<1x128xf32>
      %mul3A_34 = arith.mulf %mul3A_27, %mul3A_27 : vector<1x128xf32>
      %sub3A = arith.subf %mul3A_33, %mul3A_34 : vector<1x128xf32>
      %get3A_35 = arith.constant 0 : index
      %get3A_36 = arith.constant 0 : index
      %get3A_37 = vector.load %arg7[%get3A_35, %get3A_36] : memref<1x128xf32, #tpu.memory_space<vmem>>, vector<1x128xf32>
      %sub3A_38 = vector.broadcast %mul3A_27 : vector<1x128xf32> to vector<2000x128xf32>
      %sub3A_39 = arith.subf %get3A_21, %sub3A_38 : vector<2000x128xf32>
      %mul3A_40 = vector.broadcast %get3A_37 : vector<1x128xf32> to vector<2000x128xf32>
      %mul3A_41 = arith.mulf %mul3A_40, %sub3A_39 : vector<2000x128xf32>
      %add3A = arith.constant 9.99999974E-6 : f32
      %add3A_42 = vector.broadcast %add3A : f32 to vector<1x128xf32>
      %add3A_43 = arith.addf %sub3A, %add3A_42 : vector<1x128xf32>
      %rsqrt3A = math.rsqrt %add3A_43 : vector<1x128xf32>
      %mul3A_44 = vector.broadcast %rsqrt3A : vector<1x128xf32> to vector<2000x128xf32>
      %mul3A_45 = arith.mulf %mul3A_41, %mul3A_44 : vector<2000x128xf32>
      %get3A_46 = arith.constant 0 : index
      %get3A_47 = arith.constant 0 : index
      %get3A_48 = vector.load %arg8[%get3A_46, %get3A_47] : memref<1x128xf32, #tpu.memory_space<vmem>>, vector<1x128xf32>
      %add3A_49 = vector.broadcast %get3A_48 : vector<1x128xf32> to vector<2000x128xf32>
      %add3A_50 = arith.addf %mul3A_45, %add3A_49 : vector<2000x128xf32>
      %max3A = arith.constant 0.000000e+00 : f32
      %max3A_51 = vector.broadcast %max3A : f32 to vector<2000x128xf32>
      %max3A_52 = arith.maximumf %add3A_50, %max3A_51 : vector<2000x128xf32>
      %get3A_53 = arith.constant 0 : index
      %get3A_54 = arith.constant 0 : index
      %get3A_55 = vector.load %arg9[%get3A_53, %get3A_54] : memref<128x128xf32, #tpu.memory_space<vmem>>, vector<128x128xf32>
      %dot_general3A = arith.constant dense<0.000000e+00> : vector<2000x128xf32>
      %dot_general3A_56 = tpu.matmul %max3A_52, %get3A_55, %dot_general3A {dimension_numbers = #tpu.dot_dimension_numbers<[1], [1], [0], [0], [0, 0, 1, 0], [], []>, transpose_lhs_hint = false} : vector<2000x128xf32>, vector<128x128xf32>, vector<2000x128xf32> -> vector<2000x128xf32>
      %get3A_57 = arith.constant 0 : index
      %get3A_58 = arith.constant 0 : index
      %get3A_59 = vector.load %arg10[%get3A_57, %get3A_58] : memref<1x128xf32, #tpu.memory_space<vmem>>, vector<1x128xf32>
      %add3A_60 = vector.broadcast %get3A_59 : vector<1x128xf32> to vector<2000x128xf32>
      %add3A_61 = arith.addf %dot_general3A_56, %add3A_60 : vector<2000x128xf32>
      %swap3A = arith.index_cast %mul3A_0 : i32 to index
      %swap3A_62 = arith.constant 0 : index
      %swap3A_63 = vector.load %arg15[%swap3A, %swap3A_62] : memref<10000x128xf32, #tpu.memory_space<vmem>>, vector<2000x128xf32>
      tpu.vector_store %arg15[%swap3A, %swap3A_62], %add3A_61 {strides = array<i32>} : memref<10000x128xf32, #tpu.memory_space<vmem>>, vector<2000x128xf32>,
      %get3A_64 = arith.constant 2 : index
      %get3A_65 = arith.constant 0 : index
      %get3A_66 = vector.load %arg16[%get3A_64, %get3A_65] : memref<8x128xf32, #tpu.memory_space<vmem>>, vector<1x128xf32>
      %reduce_sum3A = arith.constant dense<0.000000e+00> : vector<128xf32>
      %reduce_sum3A_67 = vector.multi_reduction <add>, %add3A_61, %reduce_sum3A [0] : vector<2000x128xf32> to vector<128xf32>
      %broadcast_in_dim3A = vector.shape_cast %reduce_sum3A_67 : vector<128xf32> to vector<1x128xf32>
      %add3A_68 = arith.addf %get3A_66, %broadcast_in_dim3A : vector<1x128xf32>
      %swap3A_69 = arith.constant 2 : index
      %swap3A_70 = arith.constant 0 : index
      %swap3A_71 = vector.load %arg16[%swap3A_69, %swap3A_70] : memref<8x128xf32, #tpu.memory_space<vmem>>, vector<1x128xf32>
      tpu.vector_store %arg16[%swap3A_69, %swap3A_70], %add3A_68 {strides = array<i32>} : memref<8x128xf32, #tpu.memory_space<vmem>>, vector<1x128xf32>,
      %get3A_72 = arith.constant 3 : index
      %get3A_73 = arith.constant 0 : index
      %get3A_74 = vector.load %arg16[%get3A_72, %get3A_73] : memref<8x128xf32, #tpu.memory_space<vmem>>, vector<1x128xf32>
      %mul3A_75 = arith.mulf %add3A_61, %add3A_61 : vector<2000x128xf32>
      %reduce_sum3A_76 = arith.constant dense<0.000000e+00> : vector<128xf32>
      %reduce_sum3A_77 = vector.multi_reduction <add>, %mul3A_75, %reduce_sum3A_76 [0] : vector<2000x128xf32> to vector<128xf32>
      %broadcast_in_dim3A_78 = vector.shape_cast %reduce_sum3A_77 : vector<128xf32> to vector<1x128xf32>
      %add3A_79 = arith.addf %get3A_74, %broadcast_in_dim3A_78 : vector<1x128xf32>
      %swap3A_80 = arith.constant 3 : index
      %swap3A_81 = arith.constant 0 : index
      %swap3A_82 = vector.load %arg16[%swap3A_80, %swap3A_81] : memref<8x128xf32, #tpu.memory_space<vmem>>, vector<1x128xf32>
      tpu.vector_store %arg16[%swap3A_80, %swap3A_81], %add3A_79 {strides = array<i32>} : memref<8x128xf32, #tpu.memory_space<vmem>>, vector<1x128xf32>,
    } else {
    }
    %eq3A_15 = arith.constant 2 : i32
    %eq3A_16 = arith.cmpi eq, %arg0, %eq3A_15 : i32
    %convert_element_type3A_17 = arith.extui %eq3A_16 : i1 to i32
    %cond3A_18 = arith.constant 0 : i32
    %cond3A_19 = arith.cmpi ne, %convert_element_type3A_17, %cond3A_18 : i32
    scf.if %cond3A_19 {
      %get3A = arith.index_cast %mul3A_0 : i32 to index
      %get3A_20 = arith.constant 0 : index
      %get3A_21 = vector.load %arg15[%get3A, %get3A_20] : memref<10000x128xf32, #tpu.memory_space<vmem>>, vector<2000x128xf32>
      %get3A_22 = arith.constant 2 : index
      %get3A_23 = arith.constant 0 : index
      %get3A_24 = vector.load %arg16[%get3A_22, %get3A_23] : memref<8x128xf32, #tpu.memory_space<vmem>>, vector<1x128xf32>
      %mul3A_25 = arith.constant 9.99999974E-5 : f32
      %mul3A_26 = vector.broadcast %mul3A_25 : f32 to vector<1x128xf32>
      %mul3A_27 = arith.mulf %get3A_24, %mul3A_26 : vector<1x128xf32>
      %get3A_28 = arith.constant 3 : index
      %get3A_29 = arith.constant 0 : index
      %get3A_30 = vector.load %arg16[%get3A_28, %get3A_29] : memref<8x128xf32, #tpu.memory_space<vmem>>, vector<1x128xf32>
      %mul3A_31 = arith.constant 9.99999974E-5 : f32
      %mul3A_32 = vector.broadcast %mul3A_31 : f32 to vector<1x128xf32>
      %mul3A_33 = arith.mulf %get3A_30, %mul3A_32 : vector<1x128xf32>
      %mul3A_34 = arith.mulf %mul3A_27, %mul3A_27 : vector<1x128xf32>
      %sub3A = arith.subf %mul3A_33, %mul3A_34 : vector<1x128xf32>
      %get3A_35 = arith.constant 0 : index
      %get3A_36 = arith.constant 0 : index
      %get3A_37 = vector.load %arg11[%get3A_35, %get3A_36] : memref<1x128xf32, #tpu.memory_space<vmem>>, vector<1x128xf32>
      %sub3A_38 = vector.broadcast %mul3A_27 : vector<1x128xf32> to vector<2000x128xf32>
      %sub3A_39 = arith.subf %get3A_21, %sub3A_38 : vector<2000x128xf32>
      %mul3A_40 = vector.broadcast %get3A_37 : vector<1x128xf32> to vector<2000x128xf32>
      %mul3A_41 = arith.mulf %mul3A_40, %sub3A_39 : vector<2000x128xf32>
      %add3A = arith.constant 9.99999974E-6 : f32
      %add3A_42 = vector.broadcast %add3A : f32 to vector<1x128xf32>
      %add3A_43 = arith.addf %sub3A, %add3A_42 : vector<1x128xf32>
      %rsqrt3A = math.rsqrt %add3A_43 : vector<1x128xf32>
      %mul3A_44 = vector.broadcast %rsqrt3A : vector<1x128xf32> to vector<2000x128xf32>
      %mul3A_45 = arith.mulf %mul3A_41, %mul3A_44 : vector<2000x128xf32>
      %get3A_46 = arith.constant 0 : index
      %get3A_47 = arith.constant 0 : index
      %get3A_48 = vector.load %arg12[%get3A_46, %get3A_47] : memref<1x128xf32, #tpu.memory_space<vmem>>, vector<1x128xf32>
      %add3A_49 = vector.broadcast %get3A_48 : vector<1x128xf32> to vector<2000x128xf32>
      %add3A_50 = arith.addf %mul3A_45, %add3A_49 : vector<2000x128xf32>
      %max3A = arith.constant 0.000000e+00 : f32
      %max3A_51 = vector.broadcast %max3A : f32 to vector<2000x128xf32>
      %max3A_52 = arith.maximumf %add3A_50, %max3A_51 : vector<2000x128xf32>
      %swap3A = arith.constant 0 : index
      %swap3A_53 = arith.constant 0 : index
      %swap3A_54 = vector.load %arg13[%swap3A, %swap3A_53] : memref<2000x128xf32, #tpu.memory_space<vmem>>, vector<2000x128xf32>
      tpu.vector_store %arg13[%swap3A, %swap3A_53], %max3A_52 {strides = array<i32>} : memref<2000x128xf32, #tpu.memory_space<vmem>>, vector<2000x128xf32>,
    } else {
    }
    return
  }
  func.func @transform_0(%arg0: i32, %arg1: i32) -> (i32, i32) {
    %c0_i32 = arith.constant 0 : i32
    %c0_i32_0 = arith.constant 0 : i32
    return %arg1, %c0_i32 : i32, i32
  }
  func.func @transform_1(%arg0: i32, %arg1: i32) -> (i32, i32) {
    %c0_i32 = arith.constant 0 : i32
    %c0_i32_0 = arith.constant 0 : i32
    return %arg1, %c0_i32 : i32, i32
  }
  func.func @transform_2(%arg0: i32, %arg1: i32) -> (i32, i32) {
    %add3A = arith.constant 5 : i32
    %add3A_0 = arith.addi %add3A, %arg1 : i32
    %c0_i32 = arith.constant 0 : i32
    %c0_i32_1 = arith.constant 0 : i32
    return %add3A_0, %c0_i32 : i32, i32
  }
  func.func @transform_3(%arg0: i32, %arg1: i32) -> (i32, i32) {
    %c0_i32 = arith.constant 0 : i32
    %c0_i32_0 = arith.constant 0 : i32
    %c0_i32_1 = arith.constant 0 : i32
    return %c0_i32, %c0_i32_0 : i32, i32
  }
  func.func @transform_4(%arg0: i32, %arg1: i32) -> (i32, i32) {
    %c0_i32 = arith.constant 0 : i32
    %c0_i32_0 = arith.constant 0 : i32
    %c0_i32_1 = arith.constant 0 : i32
    return %c0_i32, %c0_i32_0 : i32, i32
  }
  func.func @transform_5(%arg0: i32, %arg1: i32) -> (i32, i32) {
    %c0_i32 = arith.constant 0 : i32
    %c0_i32_0 = arith.constant 0 : i32
    %c0_i32_1 = arith.constant 0 : i32
    return %c0_i32, %c0_i32_0 : i32, i32
  }
  func.func @transform_6(%arg0: i32, %arg1: i32) -> (i32, i32) {
    %c0_i32 = arith.constant 0 : i32
    %c0_i32_0 = arith.constant 0 : i32
    %c0_i32_1 = arith.constant 0 : i32
    return %c0_i32, %c0_i32_0 : i32, i32
  }
  func.func @transform_7(%arg0: i32, %arg1: i32) -> (i32, i32) {
    %c0_i32 = arith.constant 0 : i32
    %c0_i32_0 = arith.constant 0 : i32
    %c0_i32_1 = arith.constant 0 : i32
    return %c0_i32, %c0_i32_0 : i32, i32
  }
  func.func @transform_8(%arg0: i32, %arg1: i32) -> (i32, i32) {
    %c0_i32 = arith.constant 0 : i32
    %c0_i32_0 = arith.constant 0 : i32
    %c0_i32_1 = arith.constant 0 : i32
    return %c0_i32, %c0_i32_0 : i32, i32
  }
  func.func @transform_9(%arg0: i32, %arg1: i32) -> (i32, i32) {
    %c0_i32 = arith.constant 0 : i32
    %c0_i32_0 = arith.constant 0 : i32
    %c0_i32_1 = arith.constant 0 : i32
    return %c0_i32, %c0_i32_0 : i32, i32
  }
  func.func @transform_10(%arg0: i32, %arg1: i32) -> (i32, i32) {
    %c0_i32 = arith.constant 0 : i32
    %c0_i32_0 = arith.constant 0 : i32
    %c0_i32_1 = arith.constant 0 : i32
    return %c0_i32, %c0_i32_0 : i32, i32
  }
  func.func @transform_11(%arg0: i32, %arg1: i32) -> (i32, i32) {
    %c0_i32 = arith.constant 0 : i32
    %c0_i32_0 = arith.constant 0 : i32
    return %arg1, %c0_i32 : i32, i32
  }
}

module attributes {stable_mosaic.version = 14 : i64} {
  func.func @_dense_body(%arg0: i32, %arg1: i32, %arg2: memref<2000x128xf32, #tpu.memory_space<vmem>>, %arg3: memref<2000x128xf32, #tpu.memory_space<vmem>>, %arg4: memref<2000x128xf32, #tpu.memory_space<vmem>>, %arg5: memref<128x128xf32, #tpu.memory_space<vmem>>, %arg6: memref<1x128xf32, #tpu.memory_space<vmem>>, %arg7: memref<1x128xf32, #tpu.memory_space<vmem>>, %arg8: memref<1x128xf32, #tpu.memory_space<vmem>>, %arg9: memref<128x128xf32, #tpu.memory_space<vmem>>, %arg10: memref<1x128xf32, #tpu.memory_space<vmem>>, %arg11: memref<1x128xf32, #tpu.memory_space<vmem>>, %arg12: memref<1x128xf32, #tpu.memory_space<vmem>>, %arg13: memref<2000x128xf32, #tpu.memory_space<vmem>>, %arg14: memref<10000x128xf32, #tpu.memory_space<vmem>>, %arg15: memref<10000x128xf32, #tpu.memory_space<vmem>>, %arg16: memref<8x128xf32, #tpu.memory_space<vmem>>) attributes {dimension_semantics = [#tpu.dimension_semantics<arbitrary>, #tpu.dimension_semantics<arbitrary>], iteration_bounds = array<i64: 3, 5>, scalar_prefetch = 0 : i64, scratch_operands = 3 : i64, tpu.core_type = #tpu.core_type<tc>, window_params = [{transform_indices = @transform_0, window_bounds = array<i64: 2000, 128>}, {transform_indices = @transform_1, window_bounds = array<i64: 2000, 128>}, {transform_indices = @transform_2, window_bounds = array<i64: 2000, 128>}, {pipeline_mode = #tpu.pipeline_mode<synchronous>, transform_indices = @transform_3, window_bounds = array<i64: 128, 128>}, {pipeline_mode = #tpu.pipeline_mode<synchronous>, transform_indices = @transform_4, window_bounds = array<i64: 1, 128>}, {pipeline_mode = #tpu.pipeline_mode<synchronous>, transform_indices = @transform_5, window_bounds = array<i64: 1, 128>}, {pipeline_mode = #tpu.pipeline_mode<synchronous>, transform_indices = @transform_6, window_bounds = array<i64: 1, 128>}, {pipeline_mode = #tpu.pipeline_mode<synchronous>, transform_indices = @transform_7, window_bounds = array<i64: 128, 128>}, {pipeline_mode = #tpu.pipeline_mode<synchronous>, transform_indices = @transform_8, window_bounds = array<i64: 1, 128>}, {pipeline_mode = #tpu.pipeline_mode<synchronous>, transform_indices = @transform_9, window_bounds = array<i64: 1, 128>}, {pipeline_mode = #tpu.pipeline_mode<synchronous>, transform_indices = @transform_10, window_bounds = array<i64: 1, 128>}, {transform_indices = @transform_11, window_bounds = array<i64: 2000, 128>}]} {
    %mul3A = arith.constant 2000 : i32
    %mul3A_0 = arith.muli %arg1, %mul3A : i32
    %eq3A = arith.constant 0 : i32
    %eq3A_1 = arith.cmpi eq, %arg0, %eq3A : i32
    %eq3A_2 = arith.constant 0 : i32
    %eq3A_3 = arith.cmpi eq, %arg1, %eq3A_2 : i32
    %and3A = arith.andi %eq3A_1, %eq3A_3 : i1
    %convert_element_type3A = arith.extui %and3A : i1 to i32
    %cond3A = arith.constant 0 : i32
    %cond3A_4 = arith.cmpi ne, %convert_element_type3A, %cond3A : i32
    scf.if %cond3A_4 {
      %broadcast_in_dim3A = arith.constant 0.000000e+00 : f32
      %broadcast_in_dim3A_20 = vector.broadcast %broadcast_in_dim3A : f32 to vector<8x128xf32>
      %swap3A = arith.constant 0 : index
      %swap3A_21 = arith.constant 0 : index
      %swap3A_22 = vector.load %arg16[%swap3A, %swap3A_21] : memref<8x128xf32, #tpu.memory_space<vmem>>, vector<8x128xf32>
      tpu.vector_store %arg16[%swap3A, %swap3A_21], %broadcast_in_dim3A_20 {strides = array<i32>} : memref<8x128xf32, #tpu.memory_space<vmem>>, vector<8x128xf32>,
    } else {
    }
    %eq3A_5 = arith.constant 0 : i32
    %eq3A_6 = arith.cmpi eq, %arg0, %eq3A_5 : i32
    %convert_element_type3A_7 = arith.extui %eq3A_6 : i1 to i32
    %cond3A_8 = arith.constant 0 : i32
    %cond3A_9 = arith.cmpi ne, %convert_element_type3A_7, %cond3A_8 : i32
    scf.if %cond3A_9 {
      %get3A = arith.constant 0 : index
      %get3A_20 = arith.constant 0 : index
      %get3A_21 = vector.load %arg2[%get3A, %get3A_20] : memref<2000x128xf32, #tpu.memory_space<vmem>>, vector<2000x128xf32>
      %get3A_22 = arith.constant 0 : index
      %get3A_23 = arith.constant 0 : index
      %get3A_24 = vector.load %arg3[%get3A_22, %get3A_23] : memref<2000x128xf32, #tpu.memory_space<vmem>>, vector<2000x128xf32>
      %add3A = arith.addf %get3A_21, %get3A_24 : vector<2000x128xf32>
      %get3A_25 = arith.constant 0 : index
      %get3A_26 = arith.constant 0 : index
      %get3A_27 = vector.load %arg4[%get3A_25, %get3A_26] : memref<2000x128xf32, #tpu.memory_space<vmem>>, vector<2000x128xf32>
      %add3A_28 = arith.addf %add3A, %get3A_27 : vector<2000x128xf32>
      %get3A_29 = arith.constant 0 : index
      %get3A_30 = arith.constant 0 : index
      %get3A_31 = vector.load %arg5[%get3A_29, %get3A_30] : memref<128x128xf32, #tpu.memory_space<vmem>>, vector<128x128xf32>
      %dot_general3A = arith.constant dense<0.000000e+00> : vector<2000x128xf32>
      %dot_general3A_32 = tpu.matmul %add3A_28, %get3A_31, %dot_general3A {dimension_numbers = #tpu.dot_dimension_numbers<[1], [1], [0], [0], [0, 0, 1, 0], [], []>, transpose_lhs_hint = false} : vector<2000x128xf32>, vector<128x128xf32>, vector<2000x128xf32> -> vector<2000x128xf32>
      %get3A_33 = arith.constant 0 : index
      %get3A_34 = arith.constant 0 : index
      %get3A_35 = vector.load %arg6[%get3A_33, %get3A_34] : memref<1x128xf32, #tpu.memory_space<vmem>>, vector<1x128xf32>
      %add3A_36 = vector.broadcast %get3A_35 : vector<1x128xf32> to vector<2000x128xf32>
      %add3A_37 = arith.addf %dot_general3A_32, %add3A_36 : vector<2000x128xf32>
      %swap3A = arith.index_cast %mul3A_0 : i32 to index
      %swap3A_38 = arith.constant 0 : index
      %swap3A_39 = vector.load %arg14[%swap3A, %swap3A_38] : memref<10000x128xf32, #tpu.memory_space<vmem>>, vector<2000x128xf32>
      tpu.vector_store %arg14[%swap3A, %swap3A_38], %add3A_37 {strides = array<i32>} : memref<10000x128xf32, #tpu.memory_space<vmem>>, vector<2000x128xf32>,
      %get3A_40 = arith.constant 0 : index
      %get3A_41 = arith.constant 0 : index
      %get3A_42 = vector.load %arg16[%get3A_40, %get3A_41] : memref<8x128xf32, #tpu.memory_space<vmem>>, vector<1x128xf32>
      %reduce_sum3A = arith.constant dense<0.000000e+00> : vector<128xf32>
      %reduce_sum3A_43 = vector.multi_reduction <add>, %add3A_37, %reduce_sum3A [0] : vector<2000x128xf32> to vector<128xf32>
      %broadcast_in_dim3A = vector.shape_cast %reduce_sum3A_43 : vector<128xf32> to vector<1x128xf32>
      %add3A_44 = arith.addf %get3A_42, %broadcast_in_dim3A : vector<1x128xf32>
      %swap3A_45 = arith.constant 0 : index
      %swap3A_46 = arith.constant 0 : index
      %swap3A_47 = vector.load %arg16[%swap3A_45, %swap3A_46] : memref<8x128xf32, #tpu.memory_space<vmem>>, vector<1x128xf32>
      tpu.vector_store %arg16[%swap3A_45, %swap3A_46], %add3A_44 {strides = array<i32>} : memref<8x128xf32, #tpu.memory_space<vmem>>, vector<1x128xf32>,
      %get3A_48 = arith.constant 1 : index
      %get3A_49 = arith.constant 0 : index
      %get3A_50 = vector.load %arg16[%get3A_48, %get3A_49] : memref<8x128xf32, #tpu.memory_space<vmem>>, vector<1x128xf32>
      %mul3A_51 = arith.mulf %add3A_37, %add3A_37 : vector<2000x128xf32>
      %reduce_sum3A_52 = arith.constant dense<0.000000e+00> : vector<128xf32>
      %reduce_sum3A_53 = vector.multi_reduction <add>, %mul3A_51, %reduce_sum3A_52 [0] : vector<2000x128xf32> to vector<128xf32>
      %broadcast_in_dim3A_54 = vector.shape_cast %reduce_sum3A_53 : vector<128xf32> to vector<1x128xf32>
      %add3A_55 = arith.addf %get3A_50, %broadcast_in_dim3A_54 : vector<1x128xf32>
      %swap3A_56 = arith.constant 1 : index
      %swap3A_57 = arith.constant 0 : index
      %swap3A_58 = vector.load %arg16[%swap3A_56, %swap3A_57] : memref<8x128xf32, #tpu.memory_space<vmem>>, vector<1x128xf32>
      tpu.vector_store %arg16[%swap3A_56, %swap3A_57], %add3A_55 {strides = array<i32>} : memref<8x128xf32, #tpu.memory_space<vmem>>, vector<1x128xf32>,
    } else {
    }
    %eq3A_10 = arith.constant 1 : i32
    %eq3A_11 = arith.cmpi eq, %arg0, %eq3A_10 : i32
    %convert_element_type3A_12 = arith.extui %eq3A_11 : i1 to i32
    %cond3A_13 = arith.constant 0 : i32
    %cond3A_14 = arith.cmpi ne, %convert_element_type3A_12, %cond3A_13 : i32
    scf.if %cond3A_14 {
      %get3A = arith.index_cast %mul3A_0 : i32 to index
      %get3A_20 = arith.constant 0 : index
      %get3A_21 = vector.load %arg14[%get3A, %get3A_20] : memref<10000x128xf32, #tpu.memory_space<vmem>>, vector<2000x128xf32>
      %get3A_22 = arith.constant 0 : index
      %get3A_23 = arith.constant 0 : index
      %get3A_24 = vector.load %arg16[%get3A_22, %get3A_23] : memref<8x128xf32, #tpu.memory_space<vmem>>, vector<1x128xf32>
      %mul3A_25 = arith.constant 9.99999974E-5 : f32
      %mul3A_26 = vector.broadcast %mul3A_25 : f32 to vector<1x128xf32>
      %mul3A_27 = arith.mulf %get3A_24, %mul3A_26 : vector<1x128xf32>
      %get3A_28 = arith.constant 1 : index
      %get3A_29 = arith.constant 0 : index
      %get3A_30 = vector.load %arg16[%get3A_28, %get3A_29] : memref<8x128xf32, #tpu.memory_space<vmem>>, vector<1x128xf32>
      %mul3A_31 = arith.constant 9.99999974E-5 : f32
      %mul3A_32 = vector.broadcast %mul3A_31 : f32 to vector<1x128xf32>
      %mul3A_33 = arith.mulf %get3A_30, %mul3A_32 : vector<1x128xf32>
      %mul3A_34 = arith.mulf %mul3A_27, %mul3A_27 : vector<1x128xf32>
      %sub3A = arith.subf %mul3A_33, %mul3A_34 : vector<1x128xf32>
      %get3A_35 = arith.constant 0 : index
      %get3A_36 = arith.constant 0 : index
      %get3A_37 = vector.load %arg7[%get3A_35, %get3A_36] : memref<1x128xf32, #tpu.memory_space<vmem>>, vector<1x128xf32>
      %sub3A_38 = vector.broadcast %mul3A_27 : vector<1x128xf32> to vector<2000x128xf32>
      %sub3A_39 = arith.subf %get3A_21, %sub3A_38 : vector<2000x128xf32>
      %mul3A_40 = vector.broadcast %get3A_37 : vector<1x128xf32> to vector<2000x128xf32>
      %mul3A_41 = arith.mulf %mul3A_40, %sub3A_39 : vector<2000x128xf32>
      %add3A = arith.constant 9.99999974E-6 : f32
      %add3A_42 = vector.broadcast %add3A : f32 to vector<1x128xf32>
      %add3A_43 = arith.addf %sub3A, %add3A_42 : vector<1x128xf32>
      %rsqrt3A = math.rsqrt %add3A_43 : vector<1x128xf32>
      %mul3A_44 = vector.broadcast %rsqrt3A : vector<1x128xf32> to vector<2000x128xf32>
      %mul3A_45 = arith.mulf %mul3A_41, %mul3A_44 : vector<2000x128xf32>
      %get3A_46 = arith.constant 0 : index
      %get3A_47 = arith.constant 0 : index
      %get3A_48 = vector.load %arg8[%get3A_46, %get3A_47] : memref<1x128xf32, #tpu.memory_space<vmem>>, vector<1x128xf32>
      %add3A_49 = vector.broadcast %get3A_48 : vector<1x128xf32> to vector<2000x128xf32>
      %add3A_50 = arith.addf %mul3A_45, %add3A_49 : vector<2000x128xf32>
      %max3A = arith.constant 0.000000e+00 : f32
      %max3A_51 = vector.broadcast %max3A : f32 to vector<2000x128xf32>
      %max3A_52 = arith.maximumf %add3A_50, %max3A_51 : vector<2000x128xf32>
      %get3A_53 = arith.constant 0 : index
      %get3A_54 = arith.constant 0 : index
      %get3A_55 = vector.load %arg9[%get3A_53, %get3A_54] : memref<128x128xf32, #tpu.memory_space<vmem>>, vector<128x128xf32>
      %dot_general3A = arith.constant dense<0.000000e+00> : vector<2000x128xf32>
      %dot_general3A_56 = tpu.matmul %max3A_52, %get3A_55, %dot_general3A {dimension_numbers = #tpu.dot_dimension_numbers<[1], [1], [0], [0], [0, 0, 1, 0], [], []>, transpose_lhs_hint = false} : vector<2000x128xf32>, vector<128x128xf32>, vector<2000x128xf32> -> vector<2000x128xf32>
      %get3A_57 = arith.constant 0 : index
      %get3A_58 = arith.constant 0 : index
      %get3A_59 = vector.load %arg10[%get3A_57, %get3A_58] : memref<1x128xf32, #tpu.memory_space<vmem>>, vector<1x128xf32>
      %add3A_60 = vector.broadcast %get3A_59 : vector<1x128xf32> to vector<2000x128xf32>
      %add3A_61 = arith.addf %dot_general3A_56, %add3A_60 : vector<2000x128xf32>
      %swap3A = arith.index_cast %mul3A_0 : i32 to index
      %swap3A_62 = arith.constant 0 : index
      %swap3A_63 = vector.load %arg15[%swap3A, %swap3A_62] : memref<10000x128xf32, #tpu.memory_space<vmem>>, vector<2000x128xf32>
      tpu.vector_store %arg15[%swap3A, %swap3A_62], %add3A_61 {strides = array<i32>} : memref<10000x128xf32, #tpu.memory_space<vmem>>, vector<2000x128xf32>,
      %get3A_64 = arith.constant 2 : index
      %get3A_65 = arith.constant 0 : index
      %get3A_66 = vector.load %arg16[%get3A_64, %get3A_65] : memref<8x128xf32, #tpu.memory_space<vmem>>, vector<1x128xf32>
      %reduce_sum3A = arith.constant dense<0.000000e+00> : vector<128xf32>
      %reduce_sum3A_67 = vector.multi_reduction <add>, %add3A_61, %reduce_sum3A [0] : vector<2000x128xf32> to vector<128xf32>
      %broadcast_in_dim3A = vector.shape_cast %reduce_sum3A_67 : vector<128xf32> to vector<1x128xf32>
      %add3A_68 = arith.addf %get3A_66, %broadcast_in_dim3A : vector<1x128xf32>
      %swap3A_69 = arith.constant 2 : index
      %swap3A_70 = arith.constant 0 : index
      %swap3A_71 = vector.load %arg16[%swap3A_69, %swap3A_70] : memref<8x128xf32, #tpu.memory_space<vmem>>, vector<1x128xf32>
      tpu.vector_store %arg16[%swap3A_69, %swap3A_70], %add3A_68 {strides = array<i32>} : memref<8x128xf32, #tpu.memory_space<vmem>>, vector<1x128xf32>,
      %get3A_72 = arith.constant 3 : index
      %get3A_73 = arith.constant 0 : index
      %get3A_74 = vector.load %arg16[%get3A_72, %get3A_73] : memref<8x128xf32, #tpu.memory_space<vmem>>, vector<1x128xf32>
      %mul3A_75 = arith.mulf %add3A_61, %add3A_61 : vector<2000x128xf32>
      %reduce_sum3A_76 = arith.constant dense<0.000000e+00> : vector<128xf32>
      %reduce_sum3A_77 = vector.multi_reduction <add>, %mul3A_75, %reduce_sum3A_76 [0] : vector<2000x128xf32> to vector<128xf32>
      %broadcast_in_dim3A_78 = vector.shape_cast %reduce_sum3A_77 : vector<128xf32> to vector<1x128xf32>
      %add3A_79 = arith.addf %get3A_74, %broadcast_in_dim3A_78 : vector<1x128xf32>
      %swap3A_80 = arith.constant 3 : index
      %swap3A_81 = arith.constant 0 : index
      %swap3A_82 = vector.load %arg16[%swap3A_80, %swap3A_81] : memref<8x128xf32, #tpu.memory_space<vmem>>, vector<1x128xf32>
      tpu.vector_store %arg16[%swap3A_80, %swap3A_81], %add3A_79 {strides = array<i32>} : memref<8x128xf32, #tpu.memory_space<vmem>>, vector<1x128xf32>,
    } else {
    }
    %eq3A_15 = arith.constant 2 : i32
    %eq3A_16 = arith.cmpi eq, %arg0, %eq3A_15 : i32
    %convert_element_type3A_17 = arith.extui %eq3A_16 : i1 to i32
    %cond3A_18 = arith.constant 0 : i32
    %cond3A_19 = arith.cmpi ne, %convert_element_type3A_17, %cond3A_18 : i32
    scf.if %cond3A_19 {
      %get3A = arith.index_cast %mul3A_0 : i32 to index
      %get3A_20 = arith.constant 0 : index
      %get3A_21 = vector.load %arg15[%get3A, %get3A_20] : memref<10000x128xf32, #tpu.memory_space<vmem>>, vector<2000x128xf32>
      %get3A_22 = arith.constant 2 : index
      %get3A_23 = arith.constant 0 : index
      %get3A_24 = vector.load %arg16[%get3A_22, %get3A_23] : memref<8x128xf32, #tpu.memory_space<vmem>>, vector<1x128xf32>
      %mul3A_25 = arith.constant 9.99999974E-5 : f32
      %mul3A_26 = vector.broadcast %mul3A_25 : f32 to vector<1x128xf32>
      %mul3A_27 = arith.mulf %get3A_24, %mul3A_26 : vector<1x128xf32>
      %get3A_28 = arith.constant 3 : index
      %get3A_29 = arith.constant 0 : index
      %get3A_30 = vector.load %arg16[%get3A_28, %get3A_29] : memref<8x128xf32, #tpu.memory_space<vmem>>, vector<1x128xf32>
      %mul3A_31 = arith.constant 9.99999974E-5 : f32
      %mul3A_32 = vector.broadcast %mul3A_31 : f32 to vector<1x128xf32>
      %mul3A_33 = arith.mulf %get3A_30, %mul3A_32 : vector<1x128xf32>
      %mul3A_34 = arith.mulf %mul3A_27, %mul3A_27 : vector<1x128xf32>
      %sub3A = arith.subf %mul3A_33, %mul3A_34 : vector<1x128xf32>
      %get3A_35 = arith.constant 0 : index
      %get3A_36 = arith.constant 0 : index
      %get3A_37 = vector.load %arg11[%get3A_35, %get3A_36] : memref<1x128xf32, #tpu.memory_space<vmem>>, vector<1x128xf32>
      %sub3A_38 = vector.broadcast %mul3A_27 : vector<1x128xf32> to vector<2000x128xf32>
      %sub3A_39 = arith.subf %get3A_21, %sub3A_38 : vector<2000x128xf32>
      %mul3A_40 = vector.broadcast %get3A_37 : vector<1x128xf32> to vector<2000x128xf32>
      %mul3A_41 = arith.mulf %mul3A_40, %sub3A_39 : vector<2000x128xf32>
      %add3A = arith.constant 9.99999974E-6 : f32
      %add3A_42 = vector.broadcast %add3A : f32 to vector<1x128xf32>
      %add3A_43 = arith.addf %sub3A, %add3A_42 : vector<1x128xf32>
      %rsqrt3A = math.rsqrt %add3A_43 : vector<1x128xf32>
      %mul3A_44 = vector.broadcast %rsqrt3A : vector<1x128xf32> to vector<2000x128xf32>
      %mul3A_45 = arith.mulf %mul3A_41, %mul3A_44 : vector<2000x128xf32>
      %get3A_46 = arith.constant 0 : index
      %get3A_47 = arith.constant 0 : index
      %get3A_48 = vector.load %arg12[%get3A_46, %get3A_47] : memref<1x128xf32, #tpu.memory_space<vmem>>, vector<1x128xf32>
      %add3A_49 = vector.broadcast %get3A_48 : vector<1x128xf32> to vector<2000x128xf32>
      %add3A_50 = arith.addf %mul3A_45, %add3A_49 : vector<2000x128xf32>
      %swap3A = arith.constant 0 : index
      %swap3A_51 = arith.constant 0 : index
      %swap3A_52 = vector.load %arg13[%swap3A, %swap3A_51] : memref<2000x128xf32, #tpu.memory_space<vmem>>, vector<2000x128xf32>
      tpu.vector_store %arg13[%swap3A, %swap3A_51], %add3A_50 {strides = array<i32>} : memref<2000x128xf32, #tpu.memory_space<vmem>>, vector<2000x128xf32>,
    } else {
    }
    return
  }
  func.func @transform_0(%arg0: i32, %arg1: i32) -> (i32, i32) {
    %c0_i32 = arith.constant 0 : i32
    %c0_i32_0 = arith.constant 0 : i32
    return %arg1, %c0_i32 : i32, i32
  }
  func.func @transform_1(%arg0: i32, %arg1: i32) -> (i32, i32) {
    %c0_i32 = arith.constant 0 : i32
    %c0_i32_0 = arith.constant 0 : i32
    return %arg1, %c0_i32 : i32, i32
  }
  func.func @transform_2(%arg0: i32, %arg1: i32) -> (i32, i32) {
    %add3A = arith.constant 5 : i32
    %add3A_0 = arith.addi %add3A, %arg1 : i32
    %c0_i32 = arith.constant 0 : i32
    %c0_i32_1 = arith.constant 0 : i32
    return %add3A_0, %c0_i32 : i32, i32
  }
  func.func @transform_3(%arg0: i32, %arg1: i32) -> (i32, i32) {
    %c0_i32 = arith.constant 0 : i32
    %c0_i32_0 = arith.constant 0 : i32
    %c0_i32_1 = arith.constant 0 : i32
    return %c0_i32, %c0_i32_0 : i32, i32
  }
  func.func @transform_4(%arg0: i32, %arg1: i32) -> (i32, i32) {
    %c0_i32 = arith.constant 0 : i32
    %c0_i32_0 = arith.constant 0 : i32
    %c0_i32_1 = arith.constant 0 : i32
    return %c0_i32, %c0_i32_0 : i32, i32
  }
  func.func @transform_5(%arg0: i32, %arg1: i32) -> (i32, i32) {
    %c0_i32 = arith.constant 0 : i32
    %c0_i32_0 = arith.constant 0 : i32
    %c0_i32_1 = arith.constant 0 : i32
    return %c0_i32, %c0_i32_0 : i32, i32
  }
  func.func @transform_6(%arg0: i32, %arg1: i32) -> (i32, i32) {
    %c0_i32 = arith.constant 0 : i32
    %c0_i32_0 = arith.constant 0 : i32
    %c0_i32_1 = arith.constant 0 : i32
    return %c0_i32, %c0_i32_0 : i32, i32
  }
  func.func @transform_7(%arg0: i32, %arg1: i32) -> (i32, i32) {
    %c0_i32 = arith.constant 0 : i32
    %c0_i32_0 = arith.constant 0 : i32
    %c0_i32_1 = arith.constant 0 : i32
    return %c0_i32, %c0_i32_0 : i32, i32
  }
  func.func @transform_8(%arg0: i32, %arg1: i32) -> (i32, i32) {
    %c0_i32 = arith.constant 0 : i32
    %c0_i32_0 = arith.constant 0 : i32
    %c0_i32_1 = arith.constant 0 : i32
    return %c0_i32, %c0_i32_0 : i32, i32
  }
  func.func @transform_9(%arg0: i32, %arg1: i32) -> (i32, i32) {
    %c0_i32 = arith.constant 0 : i32
    %c0_i32_0 = arith.constant 0 : i32
    %c0_i32_1 = arith.constant 0 : i32
    return %c0_i32, %c0_i32_0 : i32, i32
  }
  func.func @transform_10(%arg0: i32, %arg1: i32) -> (i32, i32) {
    %c0_i32 = arith.constant 0 : i32
    %c0_i32_0 = arith.constant 0 : i32
    %c0_i32_1 = arith.constant 0 : i32
    return %c0_i32, %c0_i32_0 : i32, i32
  }
  func.func @transform_11(%arg0: i32, %arg1: i32) -> (i32, i32) {
    %c0_i32 = arith.constant 0 : i32
    %c0_i32_0 = arith.constant 0 : i32
    return %arg1, %c0_i32 : i32, i32
  }
}

</mosaic_0001>

<sc_bundles>
// kernel: _forward.11.cloned.1.call-start
scs
__scs_entry_jumppad:
0x0: {  	(pc) =	sbr.rel $0x88, $3  }
0x1: {  	(tag) =	ssettag $0x0;
	lr =	simm.s32 $0x1  }
0x2: {  	[smem:$0x3F97] =	sst lr;
	_ =	strace $0xD0000000  }
0x3: {  	_ = 	snop  }
0x4: {  	_ = 	snop  }
0x5: {  	_ = 	snop  }
0x6: {  	_ = 	snop  }
0x7: {  	_ = 	snop  }
__scs_overlays_trampoline_lowered:
0x8: {  	[smem:$0x3FA6] =	sst s0  }
0x9: {  	[smem:$0x3FA7] =	sst s1  }
0xa: {  	[smem:$0x3FA8] =	sst s2  }
0xb: {  	[smem:$0x3FA9] =	sst s3  }
0xc: {  	[smem:$0x3FAA] =	sst s4  }
0xd: {  	[smem:$0x3FAB] =	sst s5  }
0xe: {  	[smem:$0x3FAC] =	sst s6  }
0xf: {  	[smem:$0x3FAD] =	sst s7  }
0x10: {  	[smem:$0x3FAE] =	sst s8  }
0x11: {  	[smem:$0x3FAF] =	sst s9;
	s0 =	simm.s32 @!p0 $0x0  }
0x12: {  	s1 =	sld [smem:$0x3F95];
	s0 =	simm.s32 @p0 $0x1  }
0x13: {  	[smem:$0x3FB0] =	sst s0;
	s0 =	simm.s32 @!p1 $0x0  }
0x14: {  	s2 =	sld [smem:$0x3F94];
	s0 =	simm.s32 @p1 $0x1  }
0x15: {  	[smem:$0x3FB1] =	sst s0;
	s0 =	simm.s32 @!p2 $0x0  }
0x16: {  	s3 =	sld [smem:$0x3FDB];
	s0 =	simm.s32 @p2 $0x1  }
0x17: {  	s4 =	simm.s32 $0x1BF5;
	[smem:$0x3FB3] =	sst s0  }
0x18: {  	s0 =	sld [smem:$0x3F96];
	_ =	swait.ge [sflag:s4], $0x0  }
0x19: {  	s7 =	sld [smem:$0x3F97]  }
0x1a: {  	s8 =	sadd.s32 $0xFFFFE003, lr  }
0x1b: {  	s9 =	sadd.s32 $0xFFFFFEF7, lr;
	s5 =	simm.s32 $0xFFFFFFFF;
	p2 =	slt.u32 s8, $0xFFFFF086  }
0x1c: {  	p1 =	slt.u32 s9, $0xF7A;
	s5 =	simm.s32 @!p2 $0x0  }
0x1d: {  	s5 =	simm.s32 @p1 $0x1;
	p0 =	seq.s32 s7, s2  }
0x1e: {  	s7 =	smul.u32 @!p0 $0xF7A, s2;
	p2 =	seq.s32 @!p0 s5, $0x0  }
0x1f: {  	s9 =	smul.u32 $0xF7A, s1;
	s8 =	simm.s32 @!p0 $0x1BF5;
	p2 =	por !p2, p0  }
0x20: {  	[sflag:s8] =	ssyncset.s32 @!p0 $0xFFFFF086;
	s6 =	sadd.s32 @!p0 s3, s7;
	s7 =	simm.s32 @!p0 $0x108  }
0x21: {  	s3 =	sadd.s32 s3, s9;
	s6 =	sadd.s32 @!p0 $0x88, s6;
	s7 =	simm.s32 @p2 $0x1082  }
0x22: {  	[simem:s7], [sflag:s8] =	dma.local @!p0 [hbm:s6], $0xF7A  }
0x23: {  	s9 =	sor.u32 $0xD0000000, s2;
	s6 =	simm.s32 $0x108;
	_ =	swait.ge @!p0 [sflag:s8], $0x0  }
0x24: {  	s3 =	sadd.s32 $0x88, s3;
	s6 =	simm.s32 @!p1 $0x1082;
	[sflag:s4] =	ssyncset.s32 $0xFFFFF086  }
0x25: {  	[simem:s6], [sflag:s4] =	dma.local [hbm:s3], $0xF7A  }
0x26: {  	[smem:$0x3F97] =	sst s1;
	(tag) =	ssettag s2;
	_ =	strace s9  }
0x27: {  	s1 =	sld [smem:$0x3FA7]  }
0x28: {  	s2 =	sld [smem:$0x3FA8]  }
0x29: {  	s4 =	sld [smem:$0x3FAA]  }
0x2a: {  	p0 =	seq.s32 s5, $0x0;
	s5 =	sld [smem:$0x3FAB]  }
0x2b: {  	s6 =	sld [smem:$0x3FAC]  }
0x2c: {  	s7 =	sld [smem:$0x3FAD]  }
0x2d: {  	s3 =	simm.s32 $0x108;
	s8 =	sld [smem:$0x3FAE]  }
0x2e: {  	s3 =	simm.s32 @!p0 $0x1082;
	s9 =	sld [smem:$0x3FAF]  }
0x2f: {  	lr =	sadd.s32 s0, s3;
	s0 =	sld [smem:$0x3FA6]  }
0x30: {  	s3 =	sld [smem:$0x3FA9]  }
0x31: {  	[smem:$0x3FB2] =	sst s10  }
0x32: {  	s10 =	sld [smem:$0x3FB0];
	_ =	sdelay $0x3  }
0x33: {  	p0 =	seq.s32 s10, $0x1;
	s10 =	sld [smem:$0x3FB2];
	_ =	sdelay $0x3  }
0x34: {  	[smem:$0x3FB2] =	sst s10  }
0x35: {  	s10 =	sld [smem:$0x3FB1];
	_ =	sdelay $0x3  }
0x36: {  	p1 =	seq.s32 s10, $0x1;
	s10 =	sld [smem:$0x3FB2];
	_ =	sdelay $0x3  }
0x37: {  	[smem:$0x3FB2] =	sst s10  }
0x38: {  	s10 =	sld [smem:$0x3FB3]  }
0x39: {  	_ = 	snop;
	(pc) =	sbr.ind lr, $3  }
0x3a: {  	_ = 	snop  }
0x3b: {  	_ = 	snop  }
0x3c: {  	p2 =	seq.s32 s10, $0x1;
	s10 =	sld [smem:$0x3FB2]  }
0x3d: {  	_ =	shalt  }
0x3e: {  	_ =	shalt  }
0x3f: {  	_ =	shalt  }
0x40: {  	_ =	shalt  }
0x41: {  	_ =	shalt  }
0x42: {  	_ =	shalt  }
0x43: {  	_ =	shalt  }
0x44: {  	_ =	shalt  }
0x45: {  	_ =	shalt  }
0x46: {  	_ =	shalt  }
0x47: {  	_ =	shalt  }
0x48: {  	_ =	shalt  }
0x49: {  	_ =	shalt  }
0x4a: {  	_ =	shalt  }
0x4b: {  	_ =	shalt  }
0x4c: {  	_ =	shalt  }
0x4d: {  	_ =	shalt  }
0x4e: {  	_ =	shalt  }
0x4f: {  	_ =	shalt  }
0x50: {  	_ =	shalt  }
0x51: {  	_ =	shalt  }
0x52: {  	_ =	shalt  }
0x53: {  	_ =	shalt  }
0x54: {  	_ =	shalt  }
0x55: {  	_ =	shalt  }
0x56: {  	_ =	shalt  }
0x57: {  	_ =	shalt  }
0x58: {  	_ =	shalt  }
0x59: {  	_ =	shalt  }
0x5a: {  	_ =	shalt  }
0x5b: {  	_ =	shalt  }
0x5c: {  	_ =	shalt  }
0x5d: {  	_ =	shalt  }
0x5e: {  	_ =	shalt  }
0x5f: {  	_ =	shalt  }
0x60: {  	_ =	shalt  }
0x61: {  	_ =	shalt  }
0x62: {  	_ =	shalt  }
0x63: {  	_ =	shalt  }
0x64: {  	_ =	shalt  }
0x65: {  	_ =	shalt  }
0x66: {  	_ =	shalt  }
0x67: {  	_ =	shalt  }
0x68: {  	_ =	shalt  }
0x69: {  	_ =	shalt  }
0x6a: {  	_ =	shalt  }
0x6b: {  	_ =	shalt  }
0x6c: {  	_ =	shalt  }
0x6d: {  	_ =	shalt  }
0x6e: {  	_ =	shalt  }
0x6f: {  	_ =	shalt  }
0x70: {  	_ =	shalt  }
0x71: {  	_ =	shalt  }
0x72: {  	_ =	shalt  }
0x73: {  	_ =	shalt  }
0x74: {  	_ =	shalt  }
0x75: {  	_ =	shalt  }
0x76: {  	_ =	shalt  }
0x77: {  	_ =	shalt  }
0x78: {  	_ =	shalt  }
0x79: {  	_ =	shalt  }
0x7a: {  	_ =	shalt  }
0x7b: {  	_ =	shalt  }
0x7c: {  	_ =	shalt  }
0x7d: {  	_ =	shalt  }
0x7e: {  	_ =	shalt  }
0x7f: {  	_ =	shalt  }
0x80: {  	_ =	shalt  }
0x81: {  	_ =	shalt  }
0x82: {  	_ =	shalt  }
0x83: {  	_ =	shalt  }
0x84: {  	_ =	shalt  }
0x85: {  	_ =	shalt  }
0x86: {  	_ =	shalt  }
0x87: {  	_ =	shalt  }
.Lfunc_end0:
.L_simem_size_0:
called_computation.1_lowered:
.L_overlay_start_0:
0x88: {  	s2 =	sld [smem:$0x3FD9]  }
0x89: {  	s3 =	sld [smem:$0x3FFE];
	_ =	sdelay $0x1  }
0x8a: {  	s1 =	srdreg.scid  }
0x8b: {  	s0 =	sand.u32 $0x1, s1  }
0x8c: {  	s17 =	sshll.u32 s0, $0xA;
	s2 =	sadd.s32 s3, s2  }
0x8d: {  	s2 =	sadd.s32 s2, s17  }
0x8e: {  	[smem:$0x3FBE] =	sst s2  }
0x8f: {  	_ = 	snop  }
0x90: {  	s2 =	sld [smem:$0x3FD0];
	(tm) =	ssettm $0x1  }
0x91: {  	s18 =	sld [smem:$0x3FFB];
	_ =	sdelay $0x3  }
0x92: {  	_ =	strace s18  }
0x93: {  	s3 =	sld [smem:$0x3FFC];
	_ =	sdelay $0x3  }
0x94: {  	_ =	strace s3  }
0x95: {  	s3 =	sld [smem:$0x3FFD];
	_ =	sdelay $0x3  }
0x96: {  	_ =	strace s3  }
0x97: {  	_ =	strace $0x8FFFFFFF  }
0x98: {  	s19 =	sld [smem:$0x3FDB];
	_ =	sdelay $0x1  }
0x99: {  	s4 =	simm.s32 $_scs_section_size  }
0x9a: {  	s5 =	simm.s32 $_size__tile_overlayer_lowered;
	s6 =	simm.s32 $_tile_overlayer_lowered  }
0x9b: {  	s22 =	simm.s32 $0x1BFF;
	s21 =	sshll.u32 s6, $0x1;
	s3 =	sadd.s32 s4, s19  }
0x9c: {  	s7 =	simm.s32 $0x0;
	s20 =	sshll.u32 s5, $0x1;
	s5 =	sadd.s32 s21, s3  }
0x9d: {  	[timem:s7], [sflag:s22] =	dma.local [hbm:s5], s20  }
0x9e: {  	_ =	swait.ge [sflag:s22], s20  }
0x9f: {  	s4 =	ssub.s32 $0x0, s20;
	[sflag:s22] =	ssyncset.done $0x0  }
0xa0: {  	[sflag:s22] =	ssyncadd.s32 s4;
	_ =	sdelay $0x1  }
0xa1: {  	s23 =	simm.s32 $0x1B8B  }
0xa2: {  	_ =	swait.ge [sflag:s23], $0x1  }
0xa3: {  	[sflag:s23] =	ssyncset.done $0x0  }
0xa4: {  	s25 =	simm.s32 $0x1B8E;
	s24 =	sld [smem:$0x3FFE];
	[sflag:s23] =	ssyncadd.s32 $0xFFFFFFFF  }
0xa5: {  	s26 =	simm.s32 $execute0_lowered;
	[smem:$0x3FD2] =	sst s25  }
0xa6: {  	s5 =	sshll.u32 s26, $0x1;
	_ =	strace $0x80000049;
	[dreg:$0x1] =	wrdreg $0xFFFFFFFF  }
0xa7: {  	s28 =	simm.s32 $_size_execute0_lowered;
	s3 =	sadd.s32 s3, s5;
	[dreg:$0x0] =	wrdreg $0x0  }
0xa8: {  	s5 =	sshll.u32 s28, $0x1;
	[dreg:$0x2] =	wrdreg s3  }
0xa9: {  	[dreg:$0x3] =	wrdreg s5  }
0xaa: {  	[dreg:$0x4] =	wrdreg $0xC0  }
0xab: {  	_ =	task [dreg:s7], $0x5FFFF  }
0xac: {  	[dreg:$0x1] =	wrdreg $0xFFFFFFFF  }
0xad: {  	[dreg:$0x0] =	wrdreg $0x60  }
0xae: {  	[dreg:$0x2] =	wrdreg s2  }
0xaf: {  	[dreg:$0x3] =	wrdreg s24  }
0xb0: {  	[dreg:$0x4] =	wrdreg $0xB5000  }
0xb1: {  	[dreg:$0x5] =	wrdreg $0x9  }
0xb2: {  	_ =	task.clear_ibuf [dreg:s7], $0x6FFFF;
	_ =	strace $0x90000049  }
0xb3: {  	s29 =	simm.s32 $0x9;
	_ =	strace $0x8000004B  }
0xb4: {  	_ =	swait.ge [sflag:s29], $0x1  }
0xb5: {  	[sflag:s29] =	ssyncadd.s32 $0xFFFFFFFF  }
0xb6: {  	_ =	strace $0x9000004B  }
0xb7: {  	_ =	sfence  }
0xb8: {  	s30 =	sld [smem:$0x0];
	_ =	sdelay $0x2  }
0xb9: {  	s31 =	sshll.u32 s1, $0xD;
	s1 =	sshrl.u32 s1, $0x2  }
0xba: {  	s3 =	sand.u32 $0x4000, s31;
	s1 =	sadd.s32 s1, s30  }
0xbb: {  	s0 =	sor.u32 s3, s0;
	s1 =	sshll.u32 s1, $0x11  }
0xbc: {  	s0 =	sor.u32 s1, s0  }
0xbd: {  	s0 =	sadd.s32 $0x8F2B, s0  }
0xbe: {  	[sflag:s0] =	ssyncadd.remote.s32 $0x1  }
0xbf: {  	_ =	sfence.sel $0xFFFF  }
0xc0: {  	[dreg:$0x0] =	wrdreg $0xFFFFFFFF;
	(pc) =	sbr.abs _section_cstart, $3  }
0xc1: {  	[dreg:$0x1] =	wrdreg $0xFFFFFFFF  }
0xc2: {  	_ =	task.clear_ibuf [dreg:s7], $0x2FFFF;
	_ =	strace $0x9FFFFFFF  }
0xc3: {  	(tm) =	ssettm $0x7FFFFFFF  }
tec
execute0_lowered:
.L_overlay_start_1:
0x0: {  	(tag) =	ssettag $0x1  }
0x1: {  	s1 =	srdreg.scid;
	s0 =	rddreg [dreg:$0x0]  }
0x2: {  	s6 =	stileid.u32;
	s7 =	rddreg [dreg:$0x1];
	s4 =	simm.s32 $0x0  }
0x3: {  	s16 =	simm.s32 $0x24;
	s17 =	simm.s32 $0x8D00;
	s18 =	simm.s32 $0x8C00  }
0x4: {  	s19 =	simm.s32 $0xA100;
	s20 =	simm.s32 $0x8C80;
	s21 =	simm.s32 $0x1  }
0x5: {  	s22 =	simm.s32 $0x3;
	s23 =	simm.s32 $0x2;
	s29 =	simm.s32 $0x0  }
0x6: {  	s1 =	sand.u32 $0x1, s1;
	s2 =	sshll.u32 s6, $0x1;
	s10 =	smul.u32 $0x4F000, s6  }
0x7: {  	[smem:$0x7FF] =	sst s4;
	s5 =	sadd.s32 $0x26200, s7;
	s12 =	smul.u32 $0x4E000, s6  }
0x8: {  	s13 =	sadd.s32 $0x49200, s7;
	s25 =	smul.u32 $0x2700, s6;
	s31 =	sshll.u32 s6, $0x6  }
0x9: {  	p0 =	sne.s32 s6, $0x0;
	s3 =	sor.u32 s1, s2;
	s2 =	rddreg [dreg:$0x2]  }
0xa: {  	_ =	strace $0x8000004A;
	s11 =	ssub.s32 $0x2, s1;
	s14 =	smul.u32 $0x27100, s1  }
0xb: {  	[dreg:$0x4] =	wrdreg s13;
	s1 =	smul.u32 $0x138800, s1;
	s13 =	simm.s32 $0x5  }
0xc: {  	s3 =	smul.u32 $0x8C00, s3;
	s24 =	sshrl.u32 s11, $0x1;
	s26 =	sshrl.u32 s10, $0x2  }
0xd: {  	s28 =	sshrl.u32 s12, $0x2;
	s11 =	ssub.s32 s11, s24;
	s15 =	sadd.s32 s26, s2  }
0xe: {  	s24 =	sadd.s32 s28, s2;
	s30 =	sadd.s32 s25, s14;
	s1 =	sshrl.u32 s1, $0x3  }
0xf: {  	s25 =	sadd.s32 $0x138000, s2;
	s14 =	sor.u32 $0x1C05, s31;
	s26 =	simm.s32 $0x4  }
0x10: {  	s8 =	sshrl.u32 s3, $0x3;
	s11 =	smax.u32 s11, $0x1;
	s15 =	sshrl.u32 s15, $0x3  }
0x11: {  	s24 =	sshrl.u32 s24, $0x3;
	s25 =	sshrl.u32 @!p0 s25, $0x3;
	s9 =	sadd.s32 s8, s7  }
0x12: {  	s7 =	sadd.s32 $0x4BA00, s7;
	s8 =	sadd.s32 s5, s8;
	s9 =	sadd.s32 $0x3200, s9  }
0x13: {  	s1 =	sadd.s32 s7, s1;
	[dreg:$0x5] =	wrdreg s9;
	s9 =	sadd.s32 s7, s30  }
0x14: {  	s12 =	sadd.s32 $0x1150, s8;
	s10 =	sadd.s32 $0x27000, s1;
	[dreg:$0x6] =	wrdreg s9  }
.LBB2_1:
0x15: {  	s1 =	rddreg [dreg:$0x5]  }
0x16: {  	[tilespmem:s4], [sflag:$0x5] =	stream.linear.gather [hbm4b:s1+s4], $0x8B00, $0x38;
	[tilespmem:$0x1F100] =	vst v63  }
0x17: {  	_ =	swait.ge [sflag:s13], $0x8B00  }
0x18: {  	[sflag:s13] =	ssyncset.done $0x0  }
0x19: {  	s7 =	rddreg [dreg:$0x4];
	[sflag:s13] =	ssyncadd.s32 $0xFFFF7500  }
0x1a: {  	[spmem:s15], [sflag:s14] =	dma.local [hbm:s7], $0x2780  }
0x1b: {  	_ =	swait.ge [sflag:s13], $0x2780  }
0x1c: {  	s9 =	simm.s32 $0x0;
	[sflag:s13] =	ssyncset.done $0x0  }
0x1d: {  	s6 =	simm.s32 $0x80;
	s1 =	sand.u32 $0xFC00, s9;
	[sflag:s13] =	ssyncadd.s32 $0xFFFFD880  }
0x1e: {  	s6 =	sand.u32 $0x380, s6;
	s1 =	sadd.s32 s3, s1;
	[bflag:$0x0] =	sbarrier.arrive $0xFFFF  }
0x1f: {  	[tilespmem:s17], [sflag:$0x1] =	stream.indirect.gather [hbm4b:s0+s16], $0x80, s4, s16, $0xb8;
	[tilespmem:$0x1F100] =	vst v63  }
0x20: {  	s1 =	sor.u32 s1, s6  }
0x21: {  	[tilespmem:s18], [sflag:$0x3] =	stream.linear.gather [hbm4b:s8+s4], $0x80, $0x38;
	[tilespmem:$0x1F100] =	vst v63  }
0x22: {  	s28 =	simm.s32 $0x80;
	s1 =	sshrl.u32 s1, $0x3  }
0x23: {  	[tilespmem:s19], [sflag:$0x2] =	stream.indirect.gather [hbm4b:s0+s16], $0x80, s28, s16, $0xb8;
	[tilespmem:$0x1F100] =	vst v63  }
0x24: {  	s1 =	sadd.s32 s5, s1  }
0x25: {  	[tilespmem:s20], [sflag:$0x4] =	stream.linear.gather [hbm4b:s1+s4], $0x80, $0x38;
	[tilespmem:$0x1F100] =	vst v63  }
0x26: {  	_ =	swait.ge [sflag:s21], $0x1200  }
0x27: {  	[sflag:s21] =	ssyncset.done $0x0  }
0x28: {  	[sflag:s21] =	ssyncadd.s32 $0xFFFFEE00  }
0x29: {  	_ =	swait.ge [sflag:s22], $0x80  }
0x2a: {  	s7 =	simm.s32 $0x100;
	[sflag:s22] =	ssyncset.done $0x0  }
0x2b: {  	s9 =	sand.u32 $0x1FC00, s7;
	[sflag:s22] =	ssyncadd.s32 $0xFFFFFF80  }
0x2c: {  	[spmem:s2] =	stream.indirect.scatter.add.f32 [tilespmem:s17], [sflag:$0x5], $0x80, s18, s16, $0xb8;
	[tilespmem:$0x1F100] =	vst v63  }
0x2d: {  	s6 =	sadd.s32 s3, s9;
	s1 =	sand.u32 $0x300, s7;
	_ =	swait.ge [sflag:s13], $0x1200  }
0x2e: {  	s1 =	sor.u32 s1, s6;
	[sflag:s13] =	ssyncset.done $0x0  }
0x2f: {  	s7 =	simm.s32 $0x100;
	s1 =	sshrl.u32 s1, $0x3;
	[sflag:s13] =	ssyncadd.s32 $0xFFFFEE00  }
0x30: {  	[tilespmem:s17], [sflag:$0x1] =	stream.indirect.gather [hbm4b:s0+s16], $0x80, s7, s16, $0xb8;
	[tilespmem:$0x1F100] =	vst v63  }
0x31: {  	s1 =	sadd.s32 s5, s1  }
0x32: {  	[tilespmem:s18], [sflag:$0x3] =	stream.linear.gather [hbm4b:s1+s4], $0x80, $0x38;
	[tilespmem:$0x1F100] =	vst v63  }
0x33: {  	_ =	swait.ge [sflag:s23], $0x1200  }
0x34: {  	s31 =	simm.s32 $0x200;
	s28 =	simm.s32 $0x100;
	[sflag:s23] =	ssyncset.done $0x0  }
0x35: {  	s30 =	simm.s32 $0x180;
	s6 =	sand.u32 $0xFC00, s28;
	[sflag:s23] =	ssyncadd.s32 $0xFFFFEE00  }
0x36: {  	s7 =	simm.s32 $0x180;
	s1 =	simm.s32 $0x300;
	_ =	swait.ge [sflag:s26], $0x80  }
.LBB2_2:
0x37: {  	s6 =	sadd.s32 s3, s6  }
0x38: {  	s7 =	sand.u32 $0x380, s7;
	[sflag:s26] =	ssyncset.done $0x0;
	s9 =	smov.u32 s1  }
0x39: {  	s28 =	sadd.s32 $0x100, s1;
	s6 =	sor.u32 s6, s7;
	[sflag:s26] =	ssyncadd.s32 $0xFFFFFF80  }
0x3a: {  	[spmem:s2] =	stream.indirect.scatter.add.f32 [tilespmem:s19], [sflag:$0x5], $0x80, s20, s16, $0xb8;
	[tilespmem:$0x1F100] =	vst v63  }
0x3b: {  	p1 =	sne.s32 s1, $0x8A00;
	s1 =	sshrl.u32 s6, $0x3;
	_ =	swait.ge [sflag:s13], $0x1200  }
0x3c: {  	[sflag:s13] =	ssyncset.done $0x0  }
0x3d: {  	[sflag:s13] =	ssyncadd.s32 $0xFFFFEE00  }
0x3e: {  	[tilespmem:s19], [sflag:$0x2] =	stream.indirect.gather [hbm4b:s0+s16], $0x80, s30, s16, $0xb8;
	[tilespmem:$0x1F100] =	vst v63  }
0x3f: {  	s1 =	sadd.s32 s5, s1  }
0x40: {  	[tilespmem:s20], [sflag:$0x4] =	stream.linear.gather [hbm4b:s1+s4], $0x80, $0x38;
	[tilespmem:$0x1F100] =	vst v63  }
0x41: {  	_ =	swait.ge [sflag:s21], $0x1200  }
0x42: {  	[sflag:s21] =	ssyncset.done $0x0  }
0x43: {  	[sflag:s21] =	ssyncadd.s32 $0xFFFFEE00  }
0x44: {  	_ =	swait.ge [sflag:s22], $0x80  }
0x45: {  	[sflag:s22] =	ssyncset.done $0x0  }
0x46: {  	[sflag:s22] =	ssyncadd.s32 $0xFFFFFF80  }
0x47: {  	[spmem:s2] =	stream.indirect.scatter.add.f32 [tilespmem:s17], [sflag:$0x5], $0x80, s18, s16, $0xb8;
	[tilespmem:$0x1F100] =	vst v63  }
0x48: {  	s1 =	sand.u32 $0x1FC00, s31;
	_ =	swait.ge [sflag:s13], $0x1200  }
0x49: {  	s6 =	sand.u32 $0x300, s31;
	s1 =	sadd.s32 s3, s1;
	[sflag:s13] =	ssyncset.done $0x0  }
0x4a: {  	s7 =	sadd.s32 $0x80, s30;
	s1 =	sor.u32 s6, s1;
	[sflag:s13] =	ssyncadd.s32 $0xFFFFEE00  }
0x4b: {  	[tilespmem:s17], [sflag:$0x1] =	stream.indirect.gather [hbm4b:s0+s16], $0x80, s7, s16, $0xb8;
	[tilespmem:$0x1F100] =	vst v63  }
0x4c: {  	s31 =	smov.u32 s9;
	s1 =	sshrl.u32 s1, $0x3  }
0x4d: {  	s1 =	sadd.s32 s5, s1  }
0x4e: {  	[tilespmem:s18], [sflag:$0x3] =	stream.linear.gather [hbm4b:s1+s4], $0x80, $0x38;
	[tilespmem:$0x1F100] =	vst v63  }
.Ltmp0:
0x4f: {  	_ = 	snop;
	(pc) =	sbr.rel @p1 .LBB2_2-.Ltmp0, $4  }
0x50: {  	_ =	swait.ge [sflag:s23], $0x1200  }
0x51: {  	s30 =	sadd.s32 $0x100, s30;
	[sflag:s23] =	ssyncset.done $0x0  }
0x52: {  	s7 =	sadd.s32 $0xFFFFFF80, s31;
	s1 =	sadd.s32 $0xFFFFFF00, s31;
	[sflag:s23] =	ssyncadd.s32 $0xFFFFEE00  }
0x53: {  	s6 =	sand.u32 $0xFC00, s1;
	s1 =	smov.u32 s28;
	_ =	swait.ge [sflag:s26], $0x80  }
0x54: {  	[sflag:s26] =	ssyncset.done $0x0  }
0x55: {  	[sflag:s26] =	ssyncadd.s32 $0xFFFFFF80  }
0x56: {  	[spmem:s2] =	stream.indirect.scatter.add.f32 [tilespmem:s19], [sflag:$0x5], $0x80, s20, s16, $0xb8;
	[tilespmem:$0x1F100] =	vst v63  }
0x57: {  	s1 =	sadd.s32 s3, s6;
	s28 =	sand.u32 $0x380, s7;
	_ =	swait.ge [sflag:s13], $0x1200  }
0x58: {  	s1 =	sor.u32 s1, s28;
	[sflag:s13] =	ssyncset.done $0x0  }
0x59: {  	s1 =	sshrl.u32 s1, $0x3;
	[sflag:s13] =	ssyncadd.s32 $0xFFFFEE00  }
0x5a: {  	[tilespmem:s19], [sflag:$0x2] =	stream.indirect.gather [hbm4b:s0+s16], $0x80, s30, s16, $0xb8;
	[tilespmem:$0x1F100] =	vst v63  }
0x5b: {  	s1 =	sadd.s32 s5, s1  }
0x5c: {  	[tilespmem:s20], [sflag:$0x4] =	stream.linear.gather [hbm4b:s1+s4], $0x80, $0x38;
	[tilespmem:$0x1F100] =	vst v63  }
0x5d: {  	_ =	swait.ge [sflag:s21], $0x1200  }
0x5e: {  	[sflag:s21] =	ssyncset.done $0x0  }
0x5f: {  	[sflag:s21] =	ssyncadd.s32 $0xFFFFEE00  }
0x60: {  	_ =	swait.ge [sflag:s22], $0x80  }
0x61: {  	[sflag:s22] =	ssyncset.done $0x0  }
0x62: {  	s7 =	sand.u32 $0x1FC00, s31;
	[sflag:s22] =	ssyncadd.s32 $0xFFFFFF80  }
0x63: {  	[spmem:s2] =	stream.indirect.scatter.add.f32 [tilespmem:s17], [sflag:$0x5], $0x80, s18, s16, $0xb8;
	[tilespmem:$0x1F100] =	vst v63  }
0x64: {  	s9 =	sand.u32 $0x300, s31;
	s1 =	sadd.s32 s3, s7;
	_ =	swait.ge [sflag:s13], $0x1200  }
0x65: {  	s1 =	sor.u32 s9, s1;
	[sflag:s13] =	ssyncset.done $0x0  }
0x66: {  	s28 =	sadd.s32 $0x80, s30;
	s1 =	sshrl.u32 s1, $0x3;
	[sflag:s13] =	ssyncadd.s32 $0xFFFFEE00  }
0x67: {  	[tilespmem:s17], [sflag:$0x1] =	stream.indirect.gather [hbm4b:s0+s16], $0x80, s28, s16, $0xb8;
	[tilespmem:$0x1F100] =	vst v63  }
0x68: {  	s1 =	sadd.s32 s5, s1  }
0x69: {  	[tilespmem:s18], [sflag:$0x3] =	stream.linear.gather [hbm4b:s1+s4], $0x80, $0x38;
	[tilespmem:$0x1F100] =	vst v63  }
0x6a: {  	_ =	swait.ge [sflag:s23], $0x1200  }
0x6b: {  	[sflag:s23] =	ssyncset.done $0x0  }
0x6c: {  	[sflag:s23] =	ssyncadd.s32 $0xFFFFEE00  }
0x6d: {  	_ =	swait.ge [sflag:s26], $0x80  }
0x6e: {  	[sflag:s26] =	ssyncset.done $0x0  }
0x6f: {  	[sflag:s26] =	ssyncadd.s32 $0xFFFFFF80  }
0x70: {  	[spmem:s2] =	stream.indirect.scatter.add.f32 [tilespmem:s19], [sflag:$0x5], $0x80, s20, s16, $0xb8;
	[tilespmem:$0x1F100] =	vst v63  }
0x71: {  	_ =	swait.ge [sflag:s13], $0x1200  }
0x72: {  	[sflag:s13] =	ssyncset.done $0x0  }
0x73: {  	s30 =	simm.s32 $0x8A80;
	[sflag:s13] =	ssyncadd.s32 $0xFFFFEE00  }
0x74: {  	[tilespmem:s19], [sflag:$0x2] =	stream.indirect.gather [hbm4b:s0+s16], $0x80, s30, s16, $0xb8;
	[tilespmem:$0x1F100] =	vst v63  }
0x75: {  	_ = 	snop  }
0x76: {  	[tilespmem:s20], [sflag:$0x4] =	stream.linear.gather [hbm4b:s12+s4], $0x80, $0x38;
	[tilespmem:$0x1F100] =	vst v63  }
0x77: {  	_ =	swait.ge [sflag:s21], $0x1200  }
0x78: {  	[sflag:s21] =	ssyncset.done $0x0  }
0x79: {  	[sflag:s21] =	ssyncadd.s32 $0xFFFFEE00  }
0x7a: {  	_ =	swait.ge [sflag:s22], $0x80  }
0x7b: {  	[sflag:s22] =	ssyncset.done $0x0  }
0x7c: {  	[sflag:s22] =	ssyncadd.s32 $0xFFFFFF80  }
0x7d: {  	[spmem:s2] =	stream.indirect.scatter.add.f32 [tilespmem:s17], [sflag:$0x5], $0x80, s18, s16, $0xb8;
	[tilespmem:$0x1F100] =	vst v63  }
0x7e: {  	_ =	swait.ge [sflag:s13], $0x1200  }
0x7f: {  	[sflag:s13] =	ssyncset.done $0x0  }
0x80: {  	[sflag:s13] =	ssyncadd.s32 $0xFFFFEE00  }
0x81: {  	_ =	swait.ge [sflag:s23], $0x1200  }
0x82: {  	[sflag:s23] =	ssyncset.done $0x0  }
0x83: {  	[sflag:s23] =	ssyncadd.s32 $0xFFFFEE00  }
0x84: {  	_ =	swait.ge [sflag:s26], $0x80  }
0x85: {  	[sflag:s26] =	ssyncset.done $0x0  }
0x86: {  	[sflag:s26] =	ssyncadd.s32 $0xFFFFFF80  }
0x87: {  	[spmem:s2] =	stream.indirect.scatter.add.f32 [tilespmem:s19], [sflag:$0x5], $0x80, s20, s16, $0xb8;
	[tilespmem:$0x1F100] =	vst v63  }
0x88: {  	_ =	swait.ge [sflag:s13], $0x1200  }
0x89: {  	[sflag:s13] =	ssyncset.done $0x0  }
0x8a: {  	[sflag:s13] =	ssyncadd.s32 $0xFFFFEE00  }
0x8b: {  	[bflag:$0x0] =	sbarrier.arrive $0xFFFF  }
0x8c: {  	s31 =	rddreg [dreg:$0x6]  }
0x8d: {  	[hbm:s31], [sflag:s14] =	dma.local [spmem:s24], $0x2700  }
0x8e: {  	s29 =	sadd.s32 $0x1, s29;
	_ =	swait.ge [sflag:s13], $0x2700  }
0x8f: {  	p1 =	sne.s32 s29, s11;
	[sflag:s13] =	ssyncset.done $0x0  }
.Ltmp1:
0x90: {  	s1 =	simm.s32 @!p0 $0x5;
	[sflag:s13] =	ssyncadd.s32 $0xFFFFD900;
	(pc) =	sbr.rel @p1 .LBB2_1-.Ltmp1, $4  }
0x91: {  	[hbm:s10], [sflag:s14] =	dma.local @!p0 [spmem:s25], $0x100  }
0x92: {  	_ =	swait.ge @!p0 [sflag:s1], $0x100  }
0x93: {  	[sflag:s1] =	ssyncset.done @!p0 $0x0  }
0x94: {  	[sflag:s1] =	ssyncadd.s32 @!p0 $0xFFFFFF00  }
0x95: {  	_ =	sfence.sel $0x180000  }
0x96: {  	[bflag:$0x0] =	sbarrier.arrive $0xFFFF  }
0x97: {  	_ =	strace $0x9000004A  }
0x98: {  	[bflag:$0x2] =	sbarrier.arrive $0xFFFF  }
0x99: {  	s0 =	rddreg [dreg:$0x3]  }
0x9a: {  	s0 =	sadd.s32 @!p0 $0x100000, s0  }
0x9b: {  	[sflag:s0] =	ssyncadd.tile.s32 @!p0 $0x1;
	_ =	shalt  }
.Lfunc_end2:
_tile_overlayer_lowered:
.L_overlay_start_2:
0x9c: {  	(tag) =	ssettag $0x2  }
0x9d: {  	s0 =	rddreg [dreg:$0x0];
	s2 =	stileid.u32  }
0x9e: {  	s1 =	rddreg [dreg:$0x1];
	p0 =	sne.s32 s2, $0x0  }
0x9f: {  	s3 =	rddreg [dreg:$0x2];
	[bflag:$0x3] =	sbarrier.arrive $0xFFFF;
	s2 =	simm.s32 @!p0 $0x1C05  }
0xa0: {  	[timem:s3], [sflag:s2] =	dma.local @!p0 [hbm:s0], s1  }
0xa1: {  	s0 =	simm.s32 @!p0 $0x5  }
0xa2: {  	_ =	swait.ge @!p0 [sflag:s0], s1  }
0xa3: {  	s1 =	ssub.s32 @!p0 $0x0, s1;
	[sflag:s0] =	ssyncset.done @!p0 $0x0  }
0xa4: {  	[sflag:s0] =	ssyncadd.s32 @!p0 s1  }
0xa5: {  	[bflag:$0x3] =	sbarrier.arrive $0xFFFF  }
0xa6: {  	_ =	shalt  }

// kernel: _forward.14.cloned.1.call-start
scs
__scs_entry_jumppad:
0x0: {  	(pc) =	sbr.rel $0x88, $3  }
0x1: {  	(tag) =	ssettag $0x0;
	lr =	simm.s32 $0x1  }
0x2: {  	[smem:$0x3F97] =	sst lr;
	_ =	strace $0xD0000000  }
0x3: {  	_ = 	snop  }
0x4: {  	_ = 	snop  }
0x5: {  	_ = 	snop  }
0x6: {  	_ = 	snop  }
0x7: {  	_ = 	snop  }
__scs_overlays_trampoline_lowered:
0x8: {  	[smem:$0x3FA6] =	sst s0  }
0x9: {  	[smem:$0x3FA7] =	sst s1  }
0xa: {  	[smem:$0x3FA8] =	sst s2  }
0xb: {  	[smem:$0x3FA9] =	sst s3  }
0xc: {  	[smem:$0x3FAA] =	sst s4  }
0xd: {  	[smem:$0x3FAB] =	sst s5  }
0xe: {  	[smem:$0x3FAC] =	sst s6  }
0xf: {  	[smem:$0x3FAD] =	sst s7  }
0x10: {  	[smem:$0x3FAE] =	sst s8  }
0x11: {  	[smem:$0x3FAF] =	sst s9;
	s0 =	simm.s32 @!p0 $0x0  }
0x12: {  	s1 =	sld [smem:$0x3F95];
	s0 =	simm.s32 @p0 $0x1  }
0x13: {  	[smem:$0x3FB0] =	sst s0;
	s0 =	simm.s32 @!p1 $0x0  }
0x14: {  	s2 =	sld [smem:$0x3F94];
	s0 =	simm.s32 @p1 $0x1  }
0x15: {  	[smem:$0x3FB1] =	sst s0;
	s0 =	simm.s32 @!p2 $0x0  }
0x16: {  	s3 =	sld [smem:$0x3FDB];
	s0 =	simm.s32 @p2 $0x1  }
0x17: {  	s4 =	simm.s32 $0x1BF5;
	[smem:$0x3FB3] =	sst s0  }
0x18: {  	s0 =	sld [smem:$0x3F96];
	_ =	swait.ge [sflag:s4], $0x0  }
0x19: {  	s7 =	sld [smem:$0x3F97]  }
0x1a: {  	s8 =	sadd.s32 $0xFFFFE003, lr  }
0x1b: {  	s9 =	sadd.s32 $0xFFFFFEF7, lr;
	s5 =	simm.s32 $0xFFFFFFFF;
	p2 =	slt.u32 s8, $0xFFFFF086  }
0x1c: {  	p1 =	slt.u32 s9, $0xF7A;
	s5 =	simm.s32 @!p2 $0x0  }
0x1d: {  	s5 =	simm.s32 @p1 $0x1;
	p0 =	seq.s32 s7, s2  }
0x1e: {  	s7 =	smul.u32 @!p0 $0xF7A, s2;
	p2 =	seq.s32 @!p0 s5, $0x0  }
0x1f: {  	s9 =	smul.u32 $0xF7A, s1;
	s8 =	simm.s32 @!p0 $0x1BF5;
	p2 =	por !p2, p0  }
0x20: {  	[sflag:s8] =	ssyncset.s32 @!p0 $0xFFFFF086;
	s6 =	sadd.s32 @!p0 s3, s7;
	s7 =	simm.s32 @!p0 $0x108  }
0x21: {  	s3 =	sadd.s32 s3, s9;
	s6 =	sadd.s32 @!p0 $0x88, s6;
	s7 =	simm.s32 @p2 $0x1082  }
0x22: {  	[simem:s7], [sflag:s8] =	dma.local @!p0 [hbm:s6], $0xF7A  }
0x23: {  	s9 =	sor.u32 $0xD0000000, s2;
	s6 =	simm.s32 $0x108;
	_ =	swait.ge @!p0 [sflag:s8], $0x0  }
0x24: {  	s3 =	sadd.s32 $0x88, s3;
	s6 =	simm.s32 @!p1 $0x1082;
	[sflag:s4] =	ssyncset.s32 $0xFFFFF086  }
0x25: {  	[simem:s6], [sflag:s4] =	dma.local [hbm:s3], $0xF7A  }
0x26: {  	[smem:$0x3F97] =	sst s1;
	(tag) =	ssettag s2;
	_ =	strace s9  }
0x27: {  	s1 =	sld [smem:$0x3FA7]  }
0x28: {  	s2 =	sld [smem:$0x3FA8]  }
0x29: {  	s4 =	sld [smem:$0x3FAA]  }
0x2a: {  	p0 =	seq.s32 s5, $0x0;
	s5 =	sld [smem:$0x3FAB]  }
0x2b: {  	s6 =	sld [smem:$0x3FAC]  }
0x2c: {  	s7 =	sld [smem:$0x3FAD]  }
0x2d: {  	s3 =	simm.s32 $0x108;
	s8 =	sld [smem:$0x3FAE]  }
0x2e: {  	s3 =	simm.s32 @!p0 $0x1082;
	s9 =	sld [smem:$0x3FAF]  }
0x2f: {  	lr =	sadd.s32 s0, s3;
	s0 =	sld [smem:$0x3FA6]  }
0x30: {  	s3 =	sld [smem:$0x3FA9]  }
0x31: {  	[smem:$0x3FB2] =	sst s10  }
0x32: {  	s10 =	sld [smem:$0x3FB0];
	_ =	sdelay $0x3  }
0x33: {  	p0 =	seq.s32 s10, $0x1;
	s10 =	sld [smem:$0x3FB2];
	_ =	sdelay $0x3  }
0x34: {  	[smem:$0x3FB2] =	sst s10  }
0x35: {  	s10 =	sld [smem:$0x3FB1];
	_ =	sdelay $0x3  }
0x36: {  	p1 =	seq.s32 s10, $0x1;
	s10 =	sld [smem:$0x3FB2];
	_ =	sdelay $0x3  }
0x37: {  	[smem:$0x3FB2] =	sst s10  }
0x38: {  	s10 =	sld [smem:$0x3FB3]  }
0x39: {  	_ = 	snop;
	(pc) =	sbr.ind lr, $3  }
0x3a: {  	_ = 	snop  }
0x3b: {  	_ = 	snop  }
0x3c: {  	p2 =	seq.s32 s10, $0x1;
	s10 =	sld [smem:$0x3FB2]  }
0x3d: {  	_ =	shalt  }
0x3e: {  	_ =	shalt  }
0x3f: {  	_ =	shalt  }
0x40: {  	_ =	shalt  }
0x41: {  	_ =	shalt  }
0x42: {  	_ =	shalt  }
0x43: {  	_ =	shalt  }
0x44: {  	_ =	shalt  }
0x45: {  	_ =	shalt  }
0x46: {  	_ =	shalt  }
0x47: {  	_ =	shalt  }
0x48: {  	_ =	shalt  }
0x49: {  	_ =	shalt  }
0x4a: {  	_ =	shalt  }
0x4b: {  	_ =	shalt  }
0x4c: {  	_ =	shalt  }
0x4d: {  	_ =	shalt  }
0x4e: {  	_ =	shalt  }
0x4f: {  	_ =	shalt  }
0x50: {  	_ =	shalt  }
0x51: {  	_ =	shalt  }
0x52: {  	_ =	shalt  }
0x53: {  	_ =	shalt  }
0x54: {  	_ =	shalt  }
0x55: {  	_ =	shalt  }
0x56: {  	_ =	shalt  }
0x57: {  	_ =	shalt  }
0x58: {  	_ =	shalt  }
0x59: {  	_ =	shalt  }
0x5a: {  	_ =	shalt  }
0x5b: {  	_ =	shalt  }
0x5c: {  	_ =	shalt  }
0x5d: {  	_ =	shalt  }
0x5e: {  	_ =	shalt  }
0x5f: {  	_ =	shalt  }
0x60: {  	_ =	shalt  }
0x61: {  	_ =	shalt  }
0x62: {  	_ =	shalt  }
0x63: {  	_ =	shalt  }
0x64: {  	_ =	shalt  }
0x65: {  	_ =	shalt  }
0x66: {  	_ =	shalt  }
0x67: {  	_ =	shalt  }
0x68: {  	_ =	shalt  }
0x69: {  	_ =	shalt  }
0x6a: {  	_ =	shalt  }
0x6b: {  	_ =	shalt  }
0x6c: {  	_ =	shalt  }
0x6d: {  	_ =	shalt  }
0x6e: {  	_ =	shalt  }
0x6f: {  	_ =	shalt  }
0x70: {  	_ =	shalt  }
0x71: {  	_ =	shalt  }
0x72: {  	_ =	shalt  }
0x73: {  	_ =	shalt  }
0x74: {  	_ =	shalt  }
0x75: {  	_ =	shalt  }
0x76: {  	_ =	shalt  }
0x77: {  	_ =	shalt  }
0x78: {  	_ =	shalt  }
0x79: {  	_ =	shalt  }
0x7a: {  	_ =	shalt  }
0x7b: {  	_ =	shalt  }
0x7c: {  	_ =	shalt  }
0x7d: {  	_ =	shalt  }
0x7e: {  	_ =	shalt  }
0x7f: {  	_ =	shalt  }
0x80: {  	_ =	shalt  }
0x81: {  	_ =	shalt  }
0x82: {  	_ =	shalt  }
0x83: {  	_ =	shalt  }
0x84: {  	_ =	shalt  }
0x85: {  	_ =	shalt  }
0x86: {  	_ =	shalt  }
0x87: {  	_ =	shalt  }
.Lfunc_end0:
.L_simem_size_0:
called_computation.2_lowered:
.L_overlay_start_0:
0x88: {  	s2 =	sld [smem:$0x3FD9]  }
0x89: {  	s3 =	sld [smem:$0x3FFE];
	_ =	sdelay $0x1  }
0x8a: {  	s1 =	srdreg.scid  }
0x8b: {  	s0 =	sand.u32 $0x1, s1  }
0x8c: {  	s17 =	sshll.u32 s0, $0xA;
	s2 =	sadd.s32 s3, s2  }
0x8d: {  	s2 =	sadd.s32 s2, s17  }
0x8e: {  	[smem:$0x3FBE] =	sst s2  }
0x8f: {  	_ = 	snop  }
0x90: {  	s2 =	sld [smem:$0x3FD0];
	(tm) =	ssettm $0x1  }
0x91: {  	s18 =	sld [smem:$0x3FFB];
	_ =	sdelay $0x3  }
0x92: {  	_ =	strace s18  }
0x93: {  	s3 =	sld [smem:$0x3FFC];
	_ =	sdelay $0x3  }
0x94: {  	_ =	strace s3  }
0x95: {  	s3 =	sld [smem:$0x3FFD];
	_ =	sdelay $0x3  }
0x96: {  	_ =	strace s3  }
0x97: {  	_ =	strace $0x8FFFFFFF  }
0x98: {  	s19 =	sld [smem:$0x3FDB];
	_ =	sdelay $0x1  }
0x99: {  	s4 =	simm.s32 $_scs_section_size  }
0x9a: {  	s5 =	simm.s32 $_size__tile_overlayer_lowered;
	s6 =	simm.s32 $_tile_overlayer_lowered  }
0x9b: {  	s22 =	simm.s32 $0x1BFF;
	s21 =	sshll.u32 s6, $0x1;
	s3 =	sadd.s32 s4, s19  }
0x9c: {  	s7 =	simm.s32 $0x0;
	s20 =	sshll.u32 s5, $0x1;
	s5 =	sadd.s32 s21, s3  }
0x9d: {  	[timem:s7], [sflag:s22] =	dma.local [hbm:s5], s20  }
0x9e: {  	_ =	swait.ge [sflag:s22], s20  }
0x9f: {  	s4 =	ssub.s32 $0x0, s20;
	[sflag:s22] =	ssyncset.done $0x0  }
0xa0: {  	[sflag:s22] =	ssyncadd.s32 s4;
	_ =	sdelay $0x1  }
0xa1: {  	s23 =	simm.s32 $0x1B8B  }
0xa2: {  	_ =	swait.ge [sflag:s23], $0x1  }
0xa3: {  	[sflag:s23] =	ssyncset.done $0x0  }
0xa4: {  	s25 =	simm.s32 $0x1B8E;
	s24 =	sld [smem:$0x3FFE];
	[sflag:s23] =	ssyncadd.s32 $0xFFFFFFFF  }
0xa5: {  	s26 =	simm.s32 $execute0_lowered;
	[smem:$0x3FD2] =	sst s25  }
0xa6: {  	s5 =	sshll.u32 s26, $0x1;
	_ =	strace $0x8000004C;
	[dreg:$0x1] =	wrdreg $0xFFFFFFFF  }
0xa7: {  	s28 =	simm.s32 $_size_execute0_lowered;
	s3 =	sadd.s32 s3, s5;
	[dreg:$0x0] =	wrdreg $0x0  }
0xa8: {  	s5 =	sshll.u32 s28, $0x1;
	[dreg:$0x2] =	wrdreg s3  }
0xa9: {  	[dreg:$0x3] =	wrdreg s5  }
0xaa: {  	[dreg:$0x4] =	wrdreg $0xC0  }
0xab: {  	_ =	task [dreg:s7], $0x5FFFF  }
0xac: {  	[dreg:$0x1] =	wrdreg $0xFFFFFFFF  }
0xad: {  	[dreg:$0x0] =	wrdreg $0x60  }
0xae: {  	[dreg:$0x2] =	wrdreg s2  }
0xaf: {  	[dreg:$0x3] =	wrdreg s24  }
0xb0: {  	[dreg:$0x4] =	wrdreg $0xB5000  }
0xb1: {  	[dreg:$0x5] =	wrdreg $0x9  }
0xb2: {  	_ =	task.clear_ibuf [dreg:s7], $0x6FFFF;
	_ =	strace $0x9000004C  }
0xb3: {  	s29 =	simm.s32 $0x9;
	_ =	strace $0x8000004E  }
0xb4: {  	_ =	swait.ge [sflag:s29], $0x1  }
0xb5: {  	[sflag:s29] =	ssyncadd.s32 $0xFFFFFFFF  }
0xb6: {  	_ =	strace $0x9000004E  }
0xb7: {  	_ =	sfence  }
0xb8: {  	s30 =	sld [smem:$0x0];
	_ =	sdelay $0x2  }
0xb9: {  	s31 =	sshll.u32 s1, $0xD;
	s1 =	sshrl.u32 s1, $0x2  }
0xba: {  	s3 =	sand.u32 $0x4000, s31;
	s1 =	sadd.s32 s1, s30  }
0xbb: {  	s0 =	sor.u32 s3, s0;
	s1 =	sshll.u32 s1, $0x11  }
0xbc: {  	s0 =	sor.u32 s1, s0  }
0xbd: {  	s0 =	sadd.s32 $0x8F2B, s0  }
0xbe: {  	[sflag:s0] =	ssyncadd.remote.s32 $0x1  }
0xbf: {  	_ =	sfence.sel $0xFFFF  }
0xc0: {  	[dreg:$0x0] =	wrdreg $0xFFFFFFFF;
	(pc) =	sbr.abs _section_cstart, $3  }
0xc1: {  	[dreg:$0x1] =	wrdreg $0xFFFFFFFF  }
0xc2: {  	_ =	task.clear_ibuf [dreg:s7], $0x2FFFF;
	_ =	strace $0x9FFFFFFF  }
0xc3: {  	(tm) =	ssettm $0x7FFFFFFF  }
tec
execute0_lowered:
.L_overlay_start_1:
0x0: {  	(tag) =	ssettag $0x1  }
0x1: {  	s1 =	srdreg.scid;
	s0 =	rddreg [dreg:$0x0]  }
0x2: {  	s6 =	stileid.u32;
	s7 =	rddreg [dreg:$0x1];
	s4 =	simm.s32 $0x0  }
0x3: {  	s16 =	simm.s32 $0x24;
	s17 =	simm.s32 $0x8D00;
	s18 =	simm.s32 $0x8C00  }
0x4: {  	s19 =	simm.s32 $0xA100;
	s20 =	simm.s32 $0x8C80;
	s21 =	simm.s32 $0x1  }
0x5: {  	s22 =	simm.s32 $0x3;
	s23 =	simm.s32 $0x2;
	s29 =	simm.s32 $0x0  }
0x6: {  	s1 =	sand.u32 $0x1, s1;
	s2 =	sshll.u32 s6, $0x1;
	s10 =	smul.u32 $0x4F000, s6  }
0x7: {  	[smem:$0x7FF] =	sst s4;
	s5 =	sadd.s32 $0x26200, s7;
	s12 =	smul.u32 $0x4E000, s6  }
0x8: {  	s13 =	sadd.s32 $0x49200, s7;
	s25 =	smul.u32 $0x2700, s6;
	s31 =	sshll.u32 s6, $0x6  }
0x9: {  	p0 =	sne.s32 s6, $0x0;
	s3 =	sor.u32 s1, s2;
	s2 =	rddreg [dreg:$0x2]  }
0xa: {  	_ =	strace $0x8000004D;
	s11 =	ssub.s32 $0x2, s1;
	s14 =	smul.u32 $0x27100, s1  }
0xb: {  	[dreg:$0x4] =	wrdreg s13;
	s1 =	smul.u32 $0x138800, s1;
	s13 =	simm.s32 $0x5  }
0xc: {  	s3 =	smul.u32 $0x8C00, s3;
	s24 =	sshrl.u32 s11, $0x1;
	s26 =	sshrl.u32 s10, $0x2  }
0xd: {  	s28 =	sshrl.u32 s12, $0x2;
	s11 =	ssub.s32 s11, s24;
	s15 =	sadd.s32 s26, s2  }
0xe: {  	s24 =	sadd.s32 s28, s2;
	s30 =	sadd.s32 s25, s14;
	s1 =	sshrl.u32 s1, $0x3  }
0xf: {  	s25 =	sadd.s32 $0x138000, s2;
	s14 =	sor.u32 $0x1C05, s31;
	s26 =	simm.s32 $0x4  }
0x10: {  	s8 =	sshrl.u32 s3, $0x3;
	s11 =	smax.u32 s11, $0x1;
	s15 =	sshrl.u32 s15, $0x3  }
0x11: {  	s24 =	sshrl.u32 s24, $0x3;
	s25 =	sshrl.u32 @!p0 s25, $0x3;
	s9 =	sadd.s32 s8, s7  }
0x12: {  	s7 =	sadd.s32 $0x4BA00, s7;
	s8 =	sadd.s32 s5, s8;
	s9 =	sadd.s32 $0x3200, s9  }
0x13: {  	s1 =	sadd.s32 s7, s1;
	[dreg:$0x5] =	wrdreg s9;
	s9 =	sadd.s32 s7, s30  }
0x14: {  	s12 =	sadd.s32 $0x1150, s8;
	s10 =	sadd.s32 $0x27000, s1;
	[dreg:$0x6] =	wrdreg s9  }
.LBB2_1:
0x15: {  	s1 =	rddreg [dreg:$0x5]  }
0x16: {  	[tilespmem:s4], [sflag:$0x5] =	stream.linear.gather [hbm4b:s1+s4], $0x8B00, $0x38;
	[tilespmem:$0x1F100] =	vst v63  }
0x17: {  	_ =	swait.ge [sflag:s13], $0x8B00  }
0x18: {  	[sflag:s13] =	ssyncset.done $0x0  }
0x19: {  	s7 =	rddreg [dreg:$0x4];
	[sflag:s13] =	ssyncadd.s32 $0xFFFF7500  }
0x1a: {  	[spmem:s15], [sflag:s14] =	dma.local [hbm:s7], $0x2780  }
0x1b: {  	_ =	swait.ge [sflag:s13], $0x2780  }
0x1c: {  	s9 =	simm.s32 $0x0;
	[sflag:s13] =	ssyncset.done $0x0  }
0x1d: {  	s6 =	simm.s32 $0x80;
	s1 =	sand.u32 $0xFC00, s9;
	[sflag:s13] =	ssyncadd.s32 $0xFFFFD880  }
0x1e: {  	s6 =	sand.u32 $0x380, s6;
	s1 =	sadd.s32 s3, s1;
	[bflag:$0x0] =	sbarrier.arrive $0xFFFF  }
0x1f: {  	[tilespmem:s17], [sflag:$0x1] =	stream.indirect.gather [hbm4b:s0+s16], $0x80, s4, s16, $0xb8;
	[tilespmem:$0x1F100] =	vst v63  }
0x20: {  	s1 =	sor.u32 s1, s6  }
0x21: {  	[tilespmem:s18], [sflag:$0x3] =	stream.linear.gather [hbm4b:s8+s4], $0x80, $0x38;
	[tilespmem:$0x1F100] =	vst v63  }
0x22: {  	s28 =	simm.s32 $0x80;
	s1 =	sshrl.u32 s1, $0x3  }
0x23: {  	[tilespmem:s19], [sflag:$0x2] =	stream.indirect.gather [hbm4b:s0+s16], $0x80, s28, s16, $0xb8;
	[tilespmem:$0x1F100] =	vst v63  }
0x24: {  	s1 =	sadd.s32 s5, s1  }
0x25: {  	[tilespmem:s20], [sflag:$0x4] =	stream.linear.gather [hbm4b:s1+s4], $0x80, $0x38;
	[tilespmem:$0x1F100] =	vst v63  }
0x26: {  	_ =	swait.ge [sflag:s21], $0x1200  }
0x27: {  	[sflag:s21] =	ssyncset.done $0x0  }
0x28: {  	[sflag:s21] =	ssyncadd.s32 $0xFFFFEE00  }
0x29: {  	_ =	swait.ge [sflag:s22], $0x80  }
0x2a: {  	s7 =	simm.s32 $0x100;
	[sflag:s22] =	ssyncset.done $0x0  }
0x2b: {  	s9 =	sand.u32 $0x1FC00, s7;
	[sflag:s22] =	ssyncadd.s32 $0xFFFFFF80  }
0x2c: {  	[spmem:s2] =	stream.indirect.scatter.add.f32 [tilespmem:s17], [sflag:$0x5], $0x80, s18, s16, $0xb8;
	[tilespmem:$0x1F100] =	vst v63  }
0x2d: {  	s6 =	sadd.s32 s3, s9;
	s1 =	sand.u32 $0x300, s7;
	_ =	swait.ge [sflag:s13], $0x1200  }
0x2e: {  	s1 =	sor.u32 s1, s6;
	[sflag:s13] =	ssyncset.done $0x0  }
0x2f: {  	s7 =	simm.s32 $0x100;
	s1 =	sshrl.u32 s1, $0x3;
	[sflag:s13] =	ssyncadd.s32 $0xFFFFEE00  }
0x30: {  	[tilespmem:s17], [sflag:$0x1] =	stream.indirect.gather [hbm4b:s0+s16], $0x80, s7, s16, $0xb8;
	[tilespmem:$0x1F100] =	vst v63  }
0x31: {  	s1 =	sadd.s32 s5, s1  }
0x32: {  	[tilespmem:s18], [sflag:$0x3] =	stream.linear.gather [hbm4b:s1+s4], $0x80, $0x38;
	[tilespmem:$0x1F100] =	vst v63  }
0x33: {  	_ =	swait.ge [sflag:s23], $0x1200  }
0x34: {  	s31 =	simm.s32 $0x200;
	s28 =	simm.s32 $0x100;
	[sflag:s23] =	ssyncset.done $0x0  }
0x35: {  	s30 =	simm.s32 $0x180;
	s6 =	sand.u32 $0xFC00, s28;
	[sflag:s23] =	ssyncadd.s32 $0xFFFFEE00  }
0x36: {  	s7 =	simm.s32 $0x180;
	s1 =	simm.s32 $0x300;
	_ =	swait.ge [sflag:s26], $0x80  }
.LBB2_2:
0x37: {  	s6 =	sadd.s32 s3, s6  }
0x38: {  	s7 =	sand.u32 $0x380, s7;
	[sflag:s26] =	ssyncset.done $0x0;
	s9 =	smov.u32 s1  }
0x39: {  	s28 =	sadd.s32 $0x100, s1;
	s6 =	sor.u32 s6, s7;
	[sflag:s26] =	ssyncadd.s32 $0xFFFFFF80  }
0x3a: {  	[spmem:s2] =	stream.indirect.scatter.add.f32 [tilespmem:s19], [sflag:$0x5], $0x80, s20, s16, $0xb8;
	[tilespmem:$0x1F100] =	vst v63  }
0x3b: {  	p1 =	sne.s32 s1, $0x8A00;
	s1 =	sshrl.u32 s6, $0x3;
	_ =	swait.ge [sflag:s13], $0x1200  }
0x3c: {  	[sflag:s13] =	ssyncset.done $0x0  }
0x3d: {  	[sflag:s13] =	ssyncadd.s32 $0xFFFFEE00  }
0x3e: {  	[tilespmem:s19], [sflag:$0x2] =	stream.indirect.gather [hbm4b:s0+s16], $0x80, s30, s16, $0xb8;
	[tilespmem:$0x1F100] =	vst v63  }
0x3f: {  	s1 =	sadd.s32 s5, s1  }
0x40: {  	[tilespmem:s20], [sflag:$0x4] =	stream.linear.gather [hbm4b:s1+s4], $0x80, $0x38;
	[tilespmem:$0x1F100] =	vst v63  }
0x41: {  	_ =	swait.ge [sflag:s21], $0x1200  }
0x42: {  	[sflag:s21] =	ssyncset.done $0x0  }
0x43: {  	[sflag:s21] =	ssyncadd.s32 $0xFFFFEE00  }
0x44: {  	_ =	swait.ge [sflag:s22], $0x80  }
0x45: {  	[sflag:s22] =	ssyncset.done $0x0  }
0x46: {  	[sflag:s22] =	ssyncadd.s32 $0xFFFFFF80  }
0x47: {  	[spmem:s2] =	stream.indirect.scatter.add.f32 [tilespmem:s17], [sflag:$0x5], $0x80, s18, s16, $0xb8;
	[tilespmem:$0x1F100] =	vst v63  }
0x48: {  	s1 =	sand.u32 $0x1FC00, s31;
	_ =	swait.ge [sflag:s13], $0x1200  }
0x49: {  	s6 =	sand.u32 $0x300, s31;
	s1 =	sadd.s32 s3, s1;
	[sflag:s13] =	ssyncset.done $0x0  }
0x4a: {  	s7 =	sadd.s32 $0x80, s30;
	s1 =	sor.u32 s6, s1;
	[sflag:s13] =	ssyncadd.s32 $0xFFFFEE00  }
0x4b: {  	[tilespmem:s17], [sflag:$0x1] =	stream.indirect.gather [hbm4b:s0+s16], $0x80, s7, s16, $0xb8;
	[tilespmem:$0x1F100] =	vst v63  }
0x4c: {  	s31 =	smov.u32 s9;
	s1 =	sshrl.u32 s1, $0x3  }
0x4d: {  	s1 =	sadd.s32 s5, s1  }
0x4e: {  	[tilespmem:s18], [sflag:$0x3] =	stream.linear.gather [hbm4b:s1+s4], $0x80, $0x38;
	[tilespmem:$0x1F100] =	vst v63  }
.Ltmp0:
0x4f: {  	_ = 	snop;
	(pc) =	sbr.rel @p1 .LBB2_2-.Ltmp0, $4  }
0x50: {  	_ =	swait.ge [sflag:s23], $0x1200  }
0x51: {  	s30 =	sadd.s32 $0x100, s30;
	[sflag:s23] =	ssyncset.done $0x0  }
0x52: {  	s7 =	sadd.s32 $0xFFFFFF80, s31;
	s1 =	sadd.s32 $0xFFFFFF00, s31;
	[sflag:s23] =	ssyncadd.s32 $0xFFFFEE00  }
0x53: {  	s6 =	sand.u32 $0xFC00, s1;
	s1 =	smov.u32 s28;
	_ =	swait.ge [sflag:s26], $0x80  }
0x54: {  	[sflag:s26] =	ssyncset.done $0x0  }
0x55: {  	[sflag:s26] =	ssyncadd.s32 $0xFFFFFF80  }
0x56: {  	[spmem:s2] =	stream.indirect.scatter.add.f32 [tilespmem:s19], [sflag:$0x5], $0x80, s20, s16, $0xb8;
	[tilespmem:$0x1F100] =	vst v63  }
0x57: {  	s1 =	sadd.s32 s3, s6;
	s28 =	sand.u32 $0x380, s7;
	_ =	swait.ge [sflag:s13], $0x1200  }
0x58: {  	s1 =	sor.u32 s1, s28;
	[sflag:s13] =	ssyncset.done $0x0  }
0x59: {  	s1 =	sshrl.u32 s1, $0x3;
	[sflag:s13] =	ssyncadd.s32 $0xFFFFEE00  }
0x5a: {  	[tilespmem:s19], [sflag:$0x2] =	stream.indirect.gather [hbm4b:s0+s16], $0x80, s30, s16, $0xb8;
	[tilespmem:$0x1F100] =	vst v63  }
0x5b: {  	s1 =	sadd.s32 s5, s1  }
0x5c: {  	[tilespmem:s20], [sflag:$0x4] =	stream.linear.gather [hbm4b:s1+s4], $0x80, $0x38;
	[tilespmem:$0x1F100] =	vst v63  }
0x5d: {  	_ =	swait.ge [sflag:s21], $0x1200  }
0x5e: {  	[sflag:s21] =	ssyncset.done $0x0  }
0x5f: {  	[sflag:s21] =	ssyncadd.s32 $0xFFFFEE00  }
0x60: {  	_ =	swait.ge [sflag:s22], $0x80  }
0x61: {  	[sflag:s22] =	ssyncset.done $0x0  }
0x62: {  	s7 =	sand.u32 $0x1FC00, s31;
	[sflag:s22] =	ssyncadd.s32 $0xFFFFFF80  }
0x63: {  	[spmem:s2] =	stream.indirect.scatter.add.f32 [tilespmem:s17], [sflag:$0x5], $0x80, s18, s16, $0xb8;
	[tilespmem:$0x1F100] =	vst v63  }
0x64: {  	s9 =	sand.u32 $0x300, s31;
	s1 =	sadd.s32 s3, s7;
	_ =	swait.ge [sflag:s13], $0x1200  }
0x65: {  	s1 =	sor.u32 s9, s1;
	[sflag:s13] =	ssyncset.done $0x0  }
0x66: {  	s28 =	sadd.s32 $0x80, s30;
	s1 =	sshrl.u32 s1, $0x3;
	[sflag:s13] =	ssyncadd.s32 $0xFFFFEE00  }
0x67: {  	[tilespmem:s17], [sflag:$0x1] =	stream.indirect.gather [hbm4b:s0+s16], $0x80, s28, s16, $0xb8;
	[tilespmem:$0x1F100] =	vst v63  }
0x68: {  	s1 =	sadd.s32 s5, s1  }
0x69: {  	[tilespmem:s18], [sflag:$0x3] =	stream.linear.gather [hbm4b:s1+s4], $0x80, $0x38;
	[tilespmem:$0x1F100] =	vst v63  }
0x6a: {  	_ =	swait.ge [sflag:s23], $0x1200  }
0x6b: {  	[sflag:s23] =	ssyncset.done $0x0  }
0x6c: {  	[sflag:s23] =	ssyncadd.s32 $0xFFFFEE00  }
0x6d: {  	_ =	swait.ge [sflag:s26], $0x80  }
0x6e: {  	[sflag:s26] =	ssyncset.done $0x0  }
0x6f: {  	[sflag:s26] =	ssyncadd.s32 $0xFFFFFF80  }
0x70: {  	[spmem:s2] =	stream.indirect.scatter.add.f32 [tilespmem:s19], [sflag:$0x5], $0x80, s20, s16, $0xb8;
	[tilespmem:$0x1F100] =	vst v63  }
0x71: {  	_ =	swait.ge [sflag:s13], $0x1200  }
0x72: {  	[sflag:s13] =	ssyncset.done $0x0  }
0x73: {  	s30 =	simm.s32 $0x8A80;
	[sflag:s13] =	ssyncadd.s32 $0xFFFFEE00  }
0x74: {  	[tilespmem:s19], [sflag:$0x2] =	stream.indirect.gather [hbm4b:s0+s16], $0x80, s30, s16, $0xb8;
	[tilespmem:$0x1F100] =	vst v63  }
0x75: {  	_ = 	snop  }
0x76: {  	[tilespmem:s20], [sflag:$0x4] =	stream.linear.gather [hbm4b:s12+s4], $0x80, $0x38;
	[tilespmem:$0x1F100] =	vst v63  }
0x77: {  	_ =	swait.ge [sflag:s21], $0x1200  }
0x78: {  	[sflag:s21] =	ssyncset.done $0x0  }
0x79: {  	[sflag:s21] =	ssyncadd.s32 $0xFFFFEE00  }
0x7a: {  	_ =	swait.ge [sflag:s22], $0x80  }
0x7b: {  	[sflag:s22] =	ssyncset.done $0x0  }
0x7c: {  	[sflag:s22] =	ssyncadd.s32 $0xFFFFFF80  }
0x7d: {  	[spmem:s2] =	stream.indirect.scatter.add.f32 [tilespmem:s17], [sflag:$0x5], $0x80, s18, s16, $0xb8;
	[tilespmem:$0x1F100] =	vst v63  }
0x7e: {  	_ =	swait.ge [sflag:s13], $0x1200  }
0x7f: {  	[sflag:s13] =	ssyncset.done $0x0  }
0x80: {  	[sflag:s13] =	ssyncadd.s32 $0xFFFFEE00  }
0x81: {  	_ =	swait.ge [sflag:s23], $0x1200  }
0x82: {  	[sflag:s23] =	ssyncset.done $0x0  }
0x83: {  	[sflag:s23] =	ssyncadd.s32 $0xFFFFEE00  }
0x84: {  	_ =	swait.ge [sflag:s26], $0x80  }
0x85: {  	[sflag:s26] =	ssyncset.done $0x0  }
0x86: {  	[sflag:s26] =	ssyncadd.s32 $0xFFFFFF80  }
0x87: {  	[spmem:s2] =	stream.indirect.scatter.add.f32 [tilespmem:s19], [sflag:$0x5], $0x80, s20, s16, $0xb8;
	[tilespmem:$0x1F100] =	vst v63  }
0x88: {  	_ =	swait.ge [sflag:s13], $0x1200  }
0x89: {  	[sflag:s13] =	ssyncset.done $0x0  }
0x8a: {  	[sflag:s13] =	ssyncadd.s32 $0xFFFFEE00  }
0x8b: {  	[bflag:$0x0] =	sbarrier.arrive $0xFFFF  }
0x8c: {  	s31 =	rddreg [dreg:$0x6]  }
0x8d: {  	[hbm:s31], [sflag:s14] =	dma.local [spmem:s24], $0x2700  }
0x8e: {  	s29 =	sadd.s32 $0x1, s29;
	_ =	swait.ge [sflag:s13], $0x2700  }
0x8f: {  	p1 =	sne.s32 s29, s11;
	[sflag:s13] =	ssyncset.done $0x0  }
.Ltmp1:
0x90: {  	s1 =	simm.s32 @!p0 $0x5;
	[sflag:s13] =	ssyncadd.s32 $0xFFFFD900;
	(pc) =	sbr.rel @p1 .LBB2_1-.Ltmp1, $4  }
0x91: {  	[hbm:s10], [sflag:s14] =	dma.local @!p0 [spmem:s25], $0x100  }
0x92: {  	_ =	swait.ge @!p0 [sflag:s1], $0x100  }
0x93: {  	[sflag:s1] =	ssyncset.done @!p0 $0x0  }
0x94: {  	[sflag:s1] =	ssyncadd.s32 @!p0 $0xFFFFFF00  }
0x95: {  	_ =	sfence.sel $0x180000  }
0x96: {  	[bflag:$0x0] =	sbarrier.arrive $0xFFFF  }
0x97: {  	_ =	strace $0x9000004D  }
0x98: {  	[bflag:$0x2] =	sbarrier.arrive $0xFFFF  }
0x99: {  	s0 =	rddreg [dreg:$0x3]  }
0x9a: {  	s0 =	sadd.s32 @!p0 $0x100000, s0  }
0x9b: {  	[sflag:s0] =	ssyncadd.tile.s32 @!p0 $0x1;
	_ =	shalt  }
.Lfunc_end2:
_tile_overlayer_lowered:
.L_overlay_start_2:
0x9c: {  	(tag) =	ssettag $0x2  }
0x9d: {  	s0 =	rddreg [dreg:$0x0];
	s2 =	stileid.u32  }
0x9e: {  	s1 =	rddreg [dreg:$0x1];
	p0 =	sne.s32 s2, $0x0  }
0x9f: {  	s3 =	rddreg [dreg:$0x2];
	[bflag:$0x3] =	sbarrier.arrive $0xFFFF;
	s2 =	simm.s32 @!p0 $0x1C05  }
0xa0: {  	[timem:s3], [sflag:s2] =	dma.local @!p0 [hbm:s0], s1  }
0xa1: {  	s0 =	simm.s32 @!p0 $0x5  }
0xa2: {  	_ =	swait.ge @!p0 [sflag:s0], s1  }
0xa3: {  	s1 =	ssub.s32 @!p0 $0x0, s1;
	[sflag:s0] =	ssyncset.done @!p0 $0x0  }
0xa4: {  	[sflag:s0] =	ssyncadd.s32 @!p0 s1  }
0xa5: {  	[bflag:$0x3] =	sbarrier.arrive $0xFFFF  }
0xa6: {  	_ =	shalt  }

// kernel: _forward.8.cloned.1.call-start
scs
__scs_entry_jumppad:
0x0: {  	(pc) =	sbr.rel $0x88, $3  }
0x1: {  	(tag) =	ssettag $0x0;
	lr =	simm.s32 $0x1  }
0x2: {  	[smem:$0x3F97] =	sst lr;
	_ =	strace $0xD0000000  }
0x3: {  	_ = 	snop  }
0x4: {  	_ = 	snop  }
0x5: {  	_ = 	snop  }
0x6: {  	_ = 	snop  }
0x7: {  	_ = 	snop  }
__scs_overlays_trampoline_lowered:
0x8: {  	[smem:$0x3FA6] =	sst s0  }
0x9: {  	[smem:$0x3FA7] =	sst s1  }
0xa: {  	[smem:$0x3FA8] =	sst s2  }
0xb: {  	[smem:$0x3FA9] =	sst s3  }
0xc: {  	[smem:$0x3FAA] =	sst s4  }
0xd: {  	[smem:$0x3FAB] =	sst s5  }
0xe: {  	[smem:$0x3FAC] =	sst s6  }
0xf: {  	[smem:$0x3FAD] =	sst s7  }
0x10: {  	[smem:$0x3FAE] =	sst s8  }
0x11: {  	[smem:$0x3FAF] =	sst s9;
	s0 =	simm.s32 @!p0 $0x0  }
0x12: {  	s1 =	sld [smem:$0x3F95];
	s0 =	simm.s32 @p0 $0x1  }
0x13: {  	[smem:$0x3FB0] =	sst s0;
	s0 =	simm.s32 @!p1 $0x0  }
0x14: {  	s2 =	sld [smem:$0x3F94];
	s0 =	simm.s32 @p1 $0x1  }
0x15: {  	[smem:$0x3FB1] =	sst s0;
	s0 =	simm.s32 @!p2 $0x0  }
0x16: {  	s3 =	sld [smem:$0x3FDB];
	s0 =	simm.s32 @p2 $0x1  }
0x17: {  	s4 =	simm.s32 $0x1BF5;
	[smem:$0x3FB3] =	sst s0  }
0x18: {  	s0 =	sld [smem:$0x3F96];
	_ =	swait.ge [sflag:s4], $0x0  }
0x19: {  	s7 =	sld [smem:$0x3F97]  }
0x1a: {  	s8 =	sadd.s32 $0xFFFFE003, lr  }
0x1b: {  	s9 =	sadd.s32 $0xFFFFFEF7, lr;
	s5 =	simm.s32 $0xFFFFFFFF;
	p2 =	slt.u32 s8, $0xFFFFF086  }
0x1c: {  	p1 =	slt.u32 s9, $0xF7A;
	s5 =	simm.s32 @!p2 $0x0  }
0x1d: {  	s5 =	simm.s32 @p1 $0x1;
	p0 =	seq.s32 s7, s2  }
0x1e: {  	s7 =	smul.u32 @!p0 $0xF7A, s2;
	p2 =	seq.s32 @!p0 s5, $0x0  }
0x1f: {  	s9 =	smul.u32 $0xF7A, s1;
	s8 =	simm.s32 @!p0 $0x1BF5;
	p2 =	por !p2, p0  }
0x20: {  	[sflag:s8] =	ssyncset.s32 @!p0 $0xFFFFF086;
	s6 =	sadd.s32 @!p0 s3, s7;
	s7 =	simm.s32 @!p0 $0x108  }
0x21: {  	s3 =	sadd.s32 s3, s9;
	s6 =	sadd.s32 @!p0 $0x88, s6;
	s7 =	simm.s32 @p2 $0x1082  }
0x22: {  	[simem:s7], [sflag:s8] =	dma.local @!p0 [hbm:s6], $0xF7A  }
0x23: {  	s9 =	sor.u32 $0xD0000000, s2;
	s6 =	simm.s32 $0x108;
	_ =	swait.ge @!p0 [sflag:s8], $0x0  }
0x24: {  	s3 =	sadd.s32 $0x88, s3;
	s6 =	simm.s32 @!p1 $0x1082;
	[sflag:s4] =	ssyncset.s32 $0xFFFFF086  }
0x25: {  	[simem:s6], [sflag:s4] =	dma.local [hbm:s3], $0xF7A  }
0x26: {  	[smem:$0x3F97] =	sst s1;
	(tag) =	ssettag s2;
	_ =	strace s9  }
0x27: {  	s1 =	sld [smem:$0x3FA7]  }
0x28: {  	s2 =	sld [smem:$0x3FA8]  }
0x29: {  	s4 =	sld [smem:$0x3FAA]  }
0x2a: {  	p0 =	seq.s32 s5, $0x0;
	s5 =	sld [smem:$0x3FAB]  }
0x2b: {  	s6 =	sld [smem:$0x3FAC]  }
0x2c: {  	s7 =	sld [smem:$0x3FAD]  }
0x2d: {  	s3 =	simm.s32 $0x108;
	s8 =	sld [smem:$0x3FAE]  }
0x2e: {  	s3 =	simm.s32 @!p0 $0x1082;
	s9 =	sld [smem:$0x3FAF]  }
0x2f: {  	lr =	sadd.s32 s0, s3;
	s0 =	sld [smem:$0x3FA6]  }
0x30: {  	s3 =	sld [smem:$0x3FA9]  }
0x31: {  	[smem:$0x3FB2] =	sst s10  }
0x32: {  	s10 =	sld [smem:$0x3FB0];
	_ =	sdelay $0x3  }
0x33: {  	p0 =	seq.s32 s10, $0x1;
	s10 =	sld [smem:$0x3FB2];
	_ =	sdelay $0x3  }
0x34: {  	[smem:$0x3FB2] =	sst s10  }
0x35: {  	s10 =	sld [smem:$0x3FB1];
	_ =	sdelay $0x3  }
0x36: {  	p1 =	seq.s32 s10, $0x1;
	s10 =	sld [smem:$0x3FB2];
	_ =	sdelay $0x3  }
0x37: {  	[smem:$0x3FB2] =	sst s10  }
0x38: {  	s10 =	sld [smem:$0x3FB3]  }
0x39: {  	_ = 	snop;
	(pc) =	sbr.ind lr, $3  }
0x3a: {  	_ = 	snop  }
0x3b: {  	_ = 	snop  }
0x3c: {  	p2 =	seq.s32 s10, $0x1;
	s10 =	sld [smem:$0x3FB2]  }
0x3d: {  	_ =	shalt  }
0x3e: {  	_ =	shalt  }
0x3f: {  	_ =	shalt  }
0x40: {  	_ =	shalt  }
0x41: {  	_ =	shalt  }
0x42: {  	_ =	shalt  }
0x43: {  	_ =	shalt  }
0x44: {  	_ =	shalt  }
0x45: {  	_ =	shalt  }
0x46: {  	_ =	shalt  }
0x47: {  	_ =	shalt  }
0x48: {  	_ =	shalt  }
0x49: {  	_ =	shalt  }
0x4a: {  	_ =	shalt  }
0x4b: {  	_ =	shalt  }
0x4c: {  	_ =	shalt  }
0x4d: {  	_ =	shalt  }
0x4e: {  	_ =	shalt  }
0x4f: {  	_ =	shalt  }
0x50: {  	_ =	shalt  }
0x51: {  	_ =	shalt  }
0x52: {  	_ =	shalt  }
0x53: {  	_ =	shalt  }
0x54: {  	_ =	shalt  }
0x55: {  	_ =	shalt  }
0x56: {  	_ =	shalt  }
0x57: {  	_ =	shalt  }
0x58: {  	_ =	shalt  }
0x59: {  	_ =	shalt  }
0x5a: {  	_ =	shalt  }
0x5b: {  	_ =	shalt  }
0x5c: {  	_ =	shalt  }
0x5d: {  	_ =	shalt  }
0x5e: {  	_ =	shalt  }
0x5f: {  	_ =	shalt  }
0x60: {  	_ =	shalt  }
0x61: {  	_ =	shalt  }
0x62: {  	_ =	shalt  }
0x63: {  	_ =	shalt  }
0x64: {  	_ =	shalt  }
0x65: {  	_ =	shalt  }
0x66: {  	_ =	shalt  }
0x67: {  	_ =	shalt  }
0x68: {  	_ =	shalt  }
0x69: {  	_ =	shalt  }
0x6a: {  	_ =	shalt  }
0x6b: {  	_ =	shalt  }
0x6c: {  	_ =	shalt  }
0x6d: {  	_ =	shalt  }
0x6e: {  	_ =	shalt  }
0x6f: {  	_ =	shalt  }
0x70: {  	_ =	shalt  }
0x71: {  	_ =	shalt  }
0x72: {  	_ =	shalt  }
0x73: {  	_ =	shalt  }
0x74: {  	_ =	shalt  }
0x75: {  	_ =	shalt  }
0x76: {  	_ =	shalt  }
0x77: {  	_ =	shalt  }
0x78: {  	_ =	shalt  }
0x79: {  	_ =	shalt  }
0x7a: {  	_ =	shalt  }
0x7b: {  	_ =	shalt  }
0x7c: {  	_ =	shalt  }
0x7d: {  	_ =	shalt  }
0x7e: {  	_ =	shalt  }
0x7f: {  	_ =	shalt  }
0x80: {  	_ =	shalt  }
0x81: {  	_ =	shalt  }
0x82: {  	_ =	shalt  }
0x83: {  	_ =	shalt  }
0x84: {  	_ =	shalt  }
0x85: {  	_ =	shalt  }
0x86: {  	_ =	shalt  }
0x87: {  	_ =	shalt  }
.Lfunc_end0:
.L_simem_size_0:
called_computation_lowered:
.L_overlay_start_0:
0x88: {  	s2 =	sld [smem:$0x3FD9]  }
0x89: {  	s3 =	sld [smem:$0x3FFE];
	_ =	sdelay $0x1  }
0x8a: {  	s1 =	srdreg.scid  }
0x8b: {  	s0 =	sand.u32 $0x1, s1  }
0x8c: {  	s17 =	sshll.u32 s0, $0xA;
	s2 =	sadd.s32 s3, s2  }
0x8d: {  	s2 =	sadd.s32 s2, s17  }
0x8e: {  	[smem:$0x3FBE] =	sst s2  }
0x8f: {  	_ = 	snop  }
0x90: {  	s2 =	sld [smem:$0x3FC9];
	(tm) =	ssettm $0x1  }
0x91: {  	s18 =	sld [smem:$0x3FFB];
	_ =	sdelay $0x3  }
0x92: {  	_ =	strace s18  }
0x93: {  	s3 =	sld [smem:$0x3FFC];
	_ =	sdelay $0x3  }
0x94: {  	_ =	strace s3  }
0x95: {  	s3 =	sld [smem:$0x3FFD];
	_ =	sdelay $0x3  }
0x96: {  	_ =	strace s3  }
0x97: {  	_ =	strace $0x8FFFFFFF  }
0x98: {  	s19 =	sld [smem:$0x3FDB];
	_ =	sdelay $0x1  }
0x99: {  	s4 =	simm.s32 $_scs_section_size  }
0x9a: {  	s5 =	simm.s32 $_size__tile_overlayer_lowered;
	s6 =	simm.s32 $_tile_overlayer_lowered  }
0x9b: {  	s22 =	simm.s32 $0x1BFF;
	s21 =	sshll.u32 s6, $0x1;
	s3 =	sadd.s32 s4, s19  }
0x9c: {  	s7 =	simm.s32 $0x0;
	s20 =	sshll.u32 s5, $0x1;
	s5 =	sadd.s32 s21, s3  }
0x9d: {  	[timem:s7], [sflag:s22] =	dma.local [hbm:s5], s20  }
0x9e: {  	_ =	swait.ge [sflag:s22], s20  }
0x9f: {  	s4 =	ssub.s32 $0x0, s20;
	[sflag:s22] =	ssyncset.done $0x0  }
0xa0: {  	[sflag:s22] =	ssyncadd.s32 s4;
	_ =	sdelay $0x1  }
0xa1: {  	s23 =	simm.s32 $0x1B8B  }
0xa2: {  	_ =	swait.ge [sflag:s23], $0x1  }
0xa3: {  	[sflag:s23] =	ssyncset.done $0x0  }
0xa4: {  	s25 =	simm.s32 $0x1B8E;
	s24 =	sld [smem:$0x3FFE];
	[sflag:s23] =	ssyncadd.s32 $0xFFFFFFFF  }
0xa5: {  	s26 =	simm.s32 $execute0_lowered;
	[smem:$0x3FD2] =	sst s25  }
0xa6: {  	s5 =	sshll.u32 s26, $0x1;
	_ =	strace $0x80000046;
	[dreg:$0x1] =	wrdreg $0xFFFFFFFF  }
0xa7: {  	s28 =	simm.s32 $_size_execute0_lowered;
	s3 =	sadd.s32 s3, s5;
	[dreg:$0x0] =	wrdreg $0x0  }
0xa8: {  	s5 =	sshll.u32 s28, $0x1;
	[dreg:$0x2] =	wrdreg s3  }
0xa9: {  	[dreg:$0x3] =	wrdreg s5  }
0xaa: {  	[dreg:$0x4] =	wrdreg $0xC0  }
0xab: {  	_ =	task [dreg:s7], $0x5FFFF  }
0xac: {  	[dreg:$0x1] =	wrdreg $0xFFFFFFFF  }
0xad: {  	[dreg:$0x0] =	wrdreg $0x60  }
0xae: {  	[dreg:$0x2] =	wrdreg s2  }
0xaf: {  	[dreg:$0x3] =	wrdreg s24  }
0xb0: {  	[dreg:$0x4] =	wrdreg $0xB5000  }
0xb1: {  	[dreg:$0x5] =	wrdreg $0x9  }
0xb2: {  	_ =	task.clear_ibuf [dreg:s7], $0x6FFFF;
	_ =	strace $0x90000046  }
0xb3: {  	s29 =	simm.s32 $0x9;
	_ =	strace $0x80000048  }
0xb4: {  	_ =	swait.ge [sflag:s29], $0x1  }
0xb5: {  	[sflag:s29] =	ssyncadd.s32 $0xFFFFFFFF  }
0xb6: {  	_ =	strace $0x90000048  }
0xb7: {  	_ =	sfence  }
0xb8: {  	s30 =	sld [smem:$0x0];
	_ =	sdelay $0x2  }
0xb9: {  	s31 =	sshll.u32 s1, $0xD;
	s1 =	sshrl.u32 s1, $0x2  }
0xba: {  	s3 =	sand.u32 $0x4000, s31;
	s1 =	sadd.s32 s1, s30  }
0xbb: {  	s0 =	sor.u32 s3, s0;
	s1 =	sshll.u32 s1, $0x11  }
0xbc: {  	s0 =	sor.u32 s1, s0  }
0xbd: {  	s0 =	sadd.s32 $0x8F2B, s0  }
0xbe: {  	[sflag:s0] =	ssyncadd.remote.s32 $0x1  }
0xbf: {  	_ =	sfence.sel $0xFFFF  }
0xc0: {  	[dreg:$0x0] =	wrdreg $0xFFFFFFFF;
	(pc) =	sbr.abs _section_cstart, $3  }
0xc1: {  	[dreg:$0x1] =	wrdreg $0xFFFFFFFF  }
0xc2: {  	_ =	task.clear_ibuf [dreg:s7], $0x2FFFF;
	_ =	strace $0x9FFFFFFF  }
0xc3: {  	(tm) =	ssettm $0x7FFFFFFF  }
tec
execute0_lowered:
.L_overlay_start_1:
0x0: {  	(tag) =	ssettag $0x1  }
0x1: {  	s1 =	srdreg.scid;
	s0 =	rddreg [dreg:$0x0]  }
0x2: {  	s6 =	stileid.u32;
	s7 =	rddreg [dreg:$0x1];
	s4 =	simm.s32 $0x0  }
0x3: {  	s16 =	simm.s32 $0x24;
	s17 =	simm.s32 $0x8D00;
	s18 =	simm.s32 $0x8C00  }
0x4: {  	s19 =	simm.s32 $0xA100;
	s20 =	simm.s32 $0x8C80;
	s21 =	simm.s32 $0x1  }
0x5: {  	s22 =	simm.s32 $0x3;
	s23 =	simm.s32 $0x2;
	s29 =	simm.s32 $0x0  }
0x6: {  	s1 =	sand.u32 $0x1, s1;
	s2 =	sshll.u32 s6, $0x1;
	s10 =	smul.u32 $0x4F000, s6  }
0x7: {  	[smem:$0x7FF] =	sst s4;
	s5 =	sadd.s32 $0x26200, s7;
	s12 =	smul.u32 $0x4E000, s6  }
0x8: {  	s13 =	sadd.s32 $0x49200, s7;
	s25 =	smul.u32 $0x2700, s6;
	s31 =	sshll.u32 s6, $0x6  }
0x9: {  	p0 =	sne.s32 s6, $0x0;
	s3 =	sor.u32 s1, s2;
	s2 =	rddreg [dreg:$0x2]  }
0xa: {  	_ =	strace $0x80000047;
	s11 =	ssub.s32 $0x2, s1;
	s14 =	smul.u32 $0x27100, s1  }
0xb: {  	[dreg:$0x4] =	wrdreg s13;
	s1 =	smul.u32 $0x138800, s1;
	s13 =	simm.s32 $0x5  }
0xc: {  	s3 =	smul.u32 $0x8C00, s3;
	s24 =	sshrl.u32 s11, $0x1;
	s26 =	sshrl.u32 s10, $0x2  }
0xd: {  	s28 =	sshrl.u32 s12, $0x2;
	s11 =	ssub.s32 s11, s24;
	s15 =	sadd.s32 s26, s2  }
0xe: {  	s24 =	sadd.s32 s28, s2;
	s30 =	sadd.s32 s25, s14;
	s1 =	sshrl.u32 s1, $0x3  }
0xf: {  	s25 =	sadd.s32 $0x138000, s2;
	s14 =	sor.u32 $0x1C05, s31;
	s26 =	simm.s32 $0x4  }
0x10: {  	s8 =	sshrl.u32 s3, $0x3;
	s11 =	smax.u32 s11, $0x1;
	s15 =	sshrl.u32 s15, $0x3  }
0x11: {  	s24 =	sshrl.u32 s24, $0x3;
	s25 =	sshrl.u32 @!p0 s25, $0x3;
	s9 =	sadd.s32 s8, s7  }
0x12: {  	s7 =	sadd.s32 $0x4BA00, s7;
	s8 =	sadd.s32 s5, s8;
	s9 =	sadd.s32 $0x3200, s9  }
0x13: {  	s1 =	sadd.s32 s7, s1;
	[dreg:$0x5] =	wrdreg s9;
	s9 =	sadd.s32 s7, s30  }
0x14: {  	s12 =	sadd.s32 $0x1150, s8;
	s10 =	sadd.s32 $0x27000, s1;
	[dreg:$0x6] =	wrdreg s9  }
.LBB2_1:
0x15: {  	s1 =	rddreg [dreg:$0x5]  }
0x16: {  	[tilespmem:s4], [sflag:$0x5] =	stream.linear.gather [hbm4b:s1+s4], $0x8B00, $0x38;
	[tilespmem:$0x1F100] =	vst v63  }
0x17: {  	_ =	swait.ge [sflag:s13], $0x8B00  }
0x18: {  	[sflag:s13] =	ssyncset.done $0x0  }
0x19: {  	s7 =	rddreg [dreg:$0x4];
	[sflag:s13] =	ssyncadd.s32 $0xFFFF7500  }
0x1a: {  	[spmem:s15], [sflag:s14] =	dma.local [hbm:s7], $0x2780  }
0x1b: {  	_ =	swait.ge [sflag:s13], $0x2780  }
0x1c: {  	s9 =	simm.s32 $0x0;
	[sflag:s13] =	ssyncset.done $0x0  }
0x1d: {  	s6 =	simm.s32 $0x80;
	s1 =	sand.u32 $0xFC00, s9;
	[sflag:s13] =	ssyncadd.s32 $0xFFFFD880  }
0x1e: {  	s6 =	sand.u32 $0x380, s6;
	s1 =	sadd.s32 s3, s1;
	[bflag:$0x0] =	sbarrier.arrive $0xFFFF  }
0x1f: {  	[tilespmem:s17], [sflag:$0x1] =	stream.indirect.gather [hbm4b:s0+s16], $0x80, s4, s16, $0xb8;
	[tilespmem:$0x1F100] =	vst v63  }
0x20: {  	s1 =	sor.u32 s1, s6  }
0x21: {  	[tilespmem:s18], [sflag:$0x3] =	stream.linear.gather [hbm4b:s8+s4], $0x80, $0x38;
	[tilespmem:$0x1F100] =	vst v63  }
0x22: {  	s28 =	simm.s32 $0x80;
	s1 =	sshrl.u32 s1, $0x3  }
0x23: {  	[tilespmem:s19], [sflag:$0x2] =	stream.indirect.gather [hbm4b:s0+s16], $0x80, s28, s16, $0xb8;
	[tilespmem:$0x1F100] =	vst v63  }
0x24: {  	s1 =	sadd.s32 s5, s1  }
0x25: {  	[tilespmem:s20], [sflag:$0x4] =	stream.linear.gather [hbm4b:s1+s4], $0x80, $0x38;
	[tilespmem:$0x1F100] =	vst v63  }
0x26: {  	_ =	swait.ge [sflag:s21], $0x1200  }
0x27: {  	[sflag:s21] =	ssyncset.done $0x0  }
0x28: {  	[sflag:s21] =	ssyncadd.s32 $0xFFFFEE00  }
0x29: {  	_ =	swait.ge [sflag:s22], $0x80  }
0x2a: {  	s7 =	simm.s32 $0x100;
	[sflag:s22] =	ssyncset.done $0x0  }
0x2b: {  	s9 =	sand.u32 $0x1FC00, s7;
	[sflag:s22] =	ssyncadd.s32 $0xFFFFFF80  }
0x2c: {  	[spmem:s2] =	stream.indirect.scatter.add.f32 [tilespmem:s17], [sflag:$0x5], $0x80, s18, s16, $0xb8;
	[tilespmem:$0x1F100] =	vst v63  }
0x2d: {  	s6 =	sadd.s32 s3, s9;
	s1 =	sand.u32 $0x300, s7;
	_ =	swait.ge [sflag:s13], $0x1200  }
0x2e: {  	s1 =	sor.u32 s1, s6;
	[sflag:s13] =	ssyncset.done $0x0  }
0x2f: {  	s7 =	simm.s32 $0x100;
	s1 =	sshrl.u32 s1, $0x3;
	[sflag:s13] =	ssyncadd.s32 $0xFFFFEE00  }
0x30: {  	[tilespmem:s17], [sflag:$0x1] =	stream.indirect.gather [hbm4b:s0+s16], $0x80, s7, s16, $0xb8;
	[tilespmem:$0x1F100] =	vst v63  }
0x31: {  	s1 =	sadd.s32 s5, s1  }
0x32: {  	[tilespmem:s18], [sflag:$0x3] =	stream.linear.gather [hbm4b:s1+s4], $0x80, $0x38;
	[tilespmem:$0x1F100] =	vst v63  }
0x33: {  	_ =	swait.ge [sflag:s23], $0x1200  }
0x34: {  	s31 =	simm.s32 $0x200;
	s28 =	simm.s32 $0x100;
	[sflag:s23] =	ssyncset.done $0x0  }
0x35: {  	s30 =	simm.s32 $0x180;
	s6 =	sand.u32 $0xFC00, s28;
	[sflag:s23] =	ssyncadd.s32 $0xFFFFEE00  }
0x36: {  	s7 =	simm.s32 $0x180;
	s1 =	simm.s32 $0x300;
	_ =	swait.ge [sflag:s26], $0x80  }
.LBB2_2:
0x37: {  	s6 =	sadd.s32 s3, s6  }
0x38: {  	s7 =	sand.u32 $0x380, s7;
	[sflag:s26] =	ssyncset.done $0x0;
	s9 =	smov.u32 s1  }
0x39: {  	s28 =	sadd.s32 $0x100, s1;
	s6 =	sor.u32 s6, s7;
	[sflag:s26] =	ssyncadd.s32 $0xFFFFFF80  }
0x3a: {  	[spmem:s2] =	stream.indirect.scatter.add.f32 [tilespmem:s19], [sflag:$0x5], $0x80, s20, s16, $0xb8;
	[tilespmem:$0x1F100] =	vst v63  }
0x3b: {  	p1 =	sne.s32 s1, $0x8A00;
	s1 =	sshrl.u32 s6, $0x3;
	_ =	swait.ge [sflag:s13], $0x1200  }
0x3c: {  	[sflag:s13] =	ssyncset.done $0x0  }
0x3d: {  	[sflag:s13] =	ssyncadd.s32 $0xFFFFEE00  }
0x3e: {  	[tilespmem:s19], [sflag:$0x2] =	stream.indirect.gather [hbm4b:s0+s16], $0x80, s30, s16, $0xb8;
	[tilespmem:$0x1F100] =	vst v63  }
0x3f: {  	s1 =	sadd.s32 s5, s1  }
0x40: {  	[tilespmem:s20], [sflag:$0x4] =	stream.linear.gather [hbm4b:s1+s4], $0x80, $0x38;
	[tilespmem:$0x1F100] =	vst v63  }
0x41: {  	_ =	swait.ge [sflag:s21], $0x1200  }
0x42: {  	[sflag:s21] =	ssyncset.done $0x0  }
0x43: {  	[sflag:s21] =	ssyncadd.s32 $0xFFFFEE00  }
0x44: {  	_ =	swait.ge [sflag:s22], $0x80  }
0x45: {  	[sflag:s22] =	ssyncset.done $0x0  }
0x46: {  	[sflag:s22] =	ssyncadd.s32 $0xFFFFFF80  }
0x47: {  	[spmem:s2] =	stream.indirect.scatter.add.f32 [tilespmem:s17], [sflag:$0x5], $0x80, s18, s16, $0xb8;
	[tilespmem:$0x1F100] =	vst v63  }
0x48: {  	s1 =	sand.u32 $0x1FC00, s31;
	_ =	swait.ge [sflag:s13], $0x1200  }
0x49: {  	s6 =	sand.u32 $0x300, s31;
	s1 =	sadd.s32 s3, s1;
	[sflag:s13] =	ssyncset.done $0x0  }
0x4a: {  	s7 =	sadd.s32 $0x80, s30;
	s1 =	sor.u32 s6, s1;
	[sflag:s13] =	ssyncadd.s32 $0xFFFFEE00  }
0x4b: {  	[tilespmem:s17], [sflag:$0x1] =	stream.indirect.gather [hbm4b:s0+s16], $0x80, s7, s16, $0xb8;
	[tilespmem:$0x1F100] =	vst v63  }
0x4c: {  	s31 =	smov.u32 s9;
	s1 =	sshrl.u32 s1, $0x3  }
0x4d: {  	s1 =	sadd.s32 s5, s1  }
0x4e: {  	[tilespmem:s18], [sflag:$0x3] =	stream.linear.gather [hbm4b:s1+s4], $0x80, $0x38;
	[tilespmem:$0x1F100] =	vst v63  }
.Ltmp0:
0x4f: {  	_ = 	snop;
	(pc) =	sbr.rel @p1 .LBB2_2-.Ltmp0, $4  }
0x50: {  	_ =	swait.ge [sflag:s23], $0x1200  }
0x51: {  	s30 =	sadd.s32 $0x100, s30;
	[sflag:s23] =	ssyncset.done $0x0  }
0x52: {  	s7 =	sadd.s32 $0xFFFFFF80, s31;
	s1 =	sadd.s32 $0xFFFFFF00, s31;
	[sflag:s23] =	ssyncadd.s32 $0xFFFFEE00  }
0x53: {  	s6 =	sand.u32 $0xFC00, s1;
	s1 =	smov.u32 s28;
	_ =	swait.ge [sflag:s26], $0x80  }
0x54: {  	[sflag:s26] =	ssyncset.done $0x0  }
0x55: {  	[sflag:s26] =	ssyncadd.s32 $0xFFFFFF80  }
0x56: {  	[spmem:s2] =	stream.indirect.scatter.add.f32 [tilespmem:s19], [sflag:$0x5], $0x80, s20, s16, $0xb8;
	[tilespmem:$0x1F100] =	vst v63  }
0x57: {  	s1 =	sadd.s32 s3, s6;
	s28 =	sand.u32 $0x380, s7;
	_ =	swait.ge [sflag:s13], $0x1200  }
0x58: {  	s1 =	sor.u32 s1, s28;
	[sflag:s13] =	ssyncset.done $0x0  }
0x59: {  	s1 =	sshrl.u32 s1, $0x3;
	[sflag:s13] =	ssyncadd.s32 $0xFFFFEE00  }
0x5a: {  	[tilespmem:s19], [sflag:$0x2] =	stream.indirect.gather [hbm4b:s0+s16], $0x80, s30, s16, $0xb8;
	[tilespmem:$0x1F100] =	vst v63  }
0x5b: {  	s1 =	sadd.s32 s5, s1  }
0x5c: {  	[tilespmem:s20], [sflag:$0x4] =	stream.linear.gather [hbm4b:s1+s4], $0x80, $0x38;
	[tilespmem:$0x1F100] =	vst v63  }
0x5d: {  	_ =	swait.ge [sflag:s21], $0x1200  }
0x5e: {  	[sflag:s21] =	ssyncset.done $0x0  }
0x5f: {  	[sflag:s21] =	ssyncadd.s32 $0xFFFFEE00  }
0x60: {  	_ =	swait.ge [sflag:s22], $0x80  }
0x61: {  	[sflag:s22] =	ssyncset.done $0x0  }
0x62: {  	s7 =	sand.u32 $0x1FC00, s31;
	[sflag:s22] =	ssyncadd.s32 $0xFFFFFF80  }
0x63: {  	[spmem:s2] =	stream.indirect.scatter.add.f32 [tilespmem:s17], [sflag:$0x5], $0x80, s18, s16, $0xb8;
	[tilespmem:$0x1F100] =	vst v63  }
0x64: {  	s9 =	sand.u32 $0x300, s31;
	s1 =	sadd.s32 s3, s7;
	_ =	swait.ge [sflag:s13], $0x1200  }
0x65: {  	s1 =	sor.u32 s9, s1;
	[sflag:s13] =	ssyncset.done $0x0  }
0x66: {  	s28 =	sadd.s32 $0x80, s30;
	s1 =	sshrl.u32 s1, $0x3;
	[sflag:s13] =	ssyncadd.s32 $0xFFFFEE00  }
0x67: {  	[tilespmem:s17], [sflag:$0x1] =	stream.indirect.gather [hbm4b:s0+s16], $0x80, s28, s16, $0xb8;
	[tilespmem:$0x1F100] =	vst v63  }
0x68: {  	s1 =	sadd.s32 s5, s1  }
0x69: {  	[tilespmem:s18], [sflag:$0x3] =	stream.linear.gather [hbm4b:s1+s4], $0x80, $0x38;
	[tilespmem:$0x1F100] =	vst v63  }
0x6a: {  	_ =	swait.ge [sflag:s23], $0x1200  }
0x6b: {  	[sflag:s23] =	ssyncset.done $0x0  }
0x6c: {  	[sflag:s23] =	ssyncadd.s32 $0xFFFFEE00  }
0x6d: {  	_ =	swait.ge [sflag:s26], $0x80  }
0x6e: {  	[sflag:s26] =	ssyncset.done $0x0  }
0x6f: {  	[sflag:s26] =	ssyncadd.s32 $0xFFFFFF80  }
0x70: {  	[spmem:s2] =	stream.indirect.scatter.add.f32 [tilespmem:s19], [sflag:$0x5], $0x80, s20, s16, $0xb8;
	[tilespmem:$0x1F100] =	vst v63  }
0x71: {  	_ =	swait.ge [sflag:s13], $0x1200  }
0x72: {  	[sflag:s13] =	ssyncset.done $0x0  }
0x73: {  	s30 =	simm.s32 $0x8A80;
	[sflag:s13] =	ssyncadd.s32 $0xFFFFEE00  }
0x74: {  	[tilespmem:s19], [sflag:$0x2] =	stream.indirect.gather [hbm4b:s0+s16], $0x80, s30, s16, $0xb8;
	[tilespmem:$0x1F100] =	vst v63  }
0x75: {  	_ = 	snop  }
0x76: {  	[tilespmem:s20], [sflag:$0x4] =	stream.linear.gather [hbm4b:s12+s4], $0x80, $0x38;
	[tilespmem:$0x1F100] =	vst v63  }
0x77: {  	_ =	swait.ge [sflag:s21], $0x1200  }
0x78: {  	[sflag:s21] =	ssyncset.done $0x0  }
0x79: {  	[sflag:s21] =	ssyncadd.s32 $0xFFFFEE00  }
0x7a: {  	_ =	swait.ge [sflag:s22], $0x80  }
0x7b: {  	[sflag:s22] =	ssyncset.done $0x0  }
0x7c: {  	[sflag:s22] =	ssyncadd.s32 $0xFFFFFF80  }
0x7d: {  	[spmem:s2] =	stream.indirect.scatter.add.f32 [tilespmem:s17], [sflag:$0x5], $0x80, s18, s16, $0xb8;
	[tilespmem:$0x1F100] =	vst v63  }
0x7e: {  	_ =	swait.ge [sflag:s13], $0x1200  }
0x7f: {  	[sflag:s13] =	ssyncset.done $0x0  }
0x80: {  	[sflag:s13] =	ssyncadd.s32 $0xFFFFEE00  }
0x81: {  	_ =	swait.ge [sflag:s23], $0x1200  }
0x82: {  	[sflag:s23] =	ssyncset.done $0x0  }
0x83: {  	[sflag:s23] =	ssyncadd.s32 $0xFFFFEE00  }
0x84: {  	_ =	swait.ge [sflag:s26], $0x80  }
0x85: {  	[sflag:s26] =	ssyncset.done $0x0  }
0x86: {  	[sflag:s26] =	ssyncadd.s32 $0xFFFFFF80  }
0x87: {  	[spmem:s2] =	stream.indirect.scatter.add.f32 [tilespmem:s19], [sflag:$0x5], $0x80, s20, s16, $0xb8;
	[tilespmem:$0x1F100] =	vst v63  }
0x88: {  	_ =	swait.ge [sflag:s13], $0x1200  }
0x89: {  	[sflag:s13] =	ssyncset.done $0x0  }
0x8a: {  	[sflag:s13] =	ssyncadd.s32 $0xFFFFEE00  }
0x8b: {  	[bflag:$0x0] =	sbarrier.arrive $0xFFFF  }
0x8c: {  	s31 =	rddreg [dreg:$0x6]  }
0x8d: {  	[hbm:s31], [sflag:s14] =	dma.local [spmem:s24], $0x2700  }
0x8e: {  	s29 =	sadd.s32 $0x1, s29;
	_ =	swait.ge [sflag:s13], $0x2700  }
0x8f: {  	p1 =	sne.s32 s29, s11;
	[sflag:s13] =	ssyncset.done $0x0  }
.Ltmp1:
0x90: {  	s1 =	simm.s32 @!p0 $0x5;
	[sflag:s13] =	ssyncadd.s32 $0xFFFFD900;
	(pc) =	sbr.rel @p1 .LBB2_1-.Ltmp1, $4  }
0x91: {  	[hbm:s10], [sflag:s14] =	dma.local @!p0 [spmem:s25], $0x100  }
0x92: {  	_ =	swait.ge @!p0 [sflag:s1], $0x100  }
0x93: {  	[sflag:s1] =	ssyncset.done @!p0 $0x0  }
0x94: {  	[sflag:s1] =	ssyncadd.s32 @!p0 $0xFFFFFF00  }
0x95: {  	_ =	sfence.sel $0x180000  }
0x96: {  	[bflag:$0x0] =	sbarrier.arrive $0xFFFF  }
0x97: {  	_ =	strace $0x90000047  }
0x98: {  	[bflag:$0x2] =	sbarrier.arrive $0xFFFF  }
0x99: {  	s0 =	rddreg [dreg:$0x3]  }
0x9a: {  	s0 =	sadd.s32 @!p0 $0x100000, s0  }
0x9b: {  	[sflag:s0] =	ssyncadd.tile.s32 @!p0 $0x1;
	_ =	shalt  }
.Lfunc_end2:
_tile_overlayer_lowered:
.L_overlay_start_2:
0x9c: {  	(tag) =	ssettag $0x2  }
0x9d: {  	s0 =	rddreg [dreg:$0x0];
	s2 =	stileid.u32  }
0x9e: {  	s1 =	rddreg [dreg:$0x1];
	p0 =	sne.s32 s2, $0x0  }
0x9f: {  	s3 =	rddreg [dreg:$0x2];
	[bflag:$0x3] =	sbarrier.arrive $0xFFFF;
	s2 =	simm.s32 @!p0 $0x1C05  }
0xa0: {  	[timem:s3], [sflag:s2] =	dma.local @!p0 [hbm:s0], s1  }
0xa1: {  	s0 =	simm.s32 @!p0 $0x5  }
0xa2: {  	_ =	swait.ge @!p0 [sflag:s0], s1  }
0xa3: {  	s1 =	ssub.s32 @!p0 $0x0, s1;
	[sflag:s0] =	ssyncset.done @!p0 $0x0  }
0xa4: {  	[sflag:s0] =	ssyncadd.s32 @!p0 s1  }
0xa5: {  	[bflag:$0x3] =	sbarrier.arrive $0xFFFF  }
0xa6: {  	_ =	shalt  }

</sc_bundles>
